<compile_context>
chip_gen: v7x
topology: tpu7x:2x2x1
jax: 0.10.2.dev20260603
libtpu: 0.0.44.dev20260713+nightly
codegen_flags: <defaults>
</compile_context>

<pallas_src>
import functools

import jax
import jax.numpy as jnp
from jax import lax
from jax.experimental import pallas as pl
from jax.experimental.pallas import tpu as pltpu
from jax.experimental.pallas import tpu_sc as plsc

N = 10000
T = 4
E = 80000
H = 128
NC = 2
NS = 16
NW = NC * NS
CH = 88
CPT = 118
EPT = CPT * CH
E_PAD = NW * EPT
ACC_ROWS = 10240
ROWS_PER_TILE = ACC_ROWS // NS
MM_R = 2000


def _proj_body(x_ref, w_ref, b_ref, a_ref, bt_ref):
    xb = x_ref[...]
    w = w_ref[0]
    a_ref[0] = jnp.dot(xb, w[:H], preferred_element_type=jnp.float32)
    bt_ref[0] = (jnp.dot(xb, w[H:], preferred_element_type=jnp.float32)
                 + b_ref[0])


def _project(x, W, b3):
    return pl.pallas_call(
        _proj_body,
        grid=(T, N // MM_R),
        in_specs=[
            pl.BlockSpec((MM_R, H), lambda t, r: (r, 0)),
            pl.BlockSpec((1, 2 * H, H), lambda t, r: (t, 0, 0)),
            pl.BlockSpec((1, 1, H), lambda t, r: (t, 0, 0)),
        ],
        out_specs=[
            pl.BlockSpec((1, MM_R, H), lambda t, r: (t, r, 0)),
            pl.BlockSpec((1, MM_R, H), lambda t, r: (t, r, 0)),
        ],
        out_shape=[
            jax.ShapeDtypeStruct((T, N, H), jnp.float32),
            jax.ShapeDtypeStruct((T, N, H), jnp.float32),
        ],
    )(x, W, b3)


PAIRS = CPT // 2
_SLABS = [(i * CH, CH) for i in range(ROWS_PER_TILE // CH)]
if ROWS_PER_TILE % CH:
    _SLABS.append((ROWS_PER_TILE - ROWS_PER_TILE % CH, ROWS_PER_TILE % CH))


def _sc_body(iab_hbm, tg_hbm, a_hbm, b_hbm, out_hbm,
             iab0, iab1, tg0, tg1, ra0, rb0, ra1, rb1, acc,
             sem_a0, sem_b0, sem_a1, sem_b1, isem0, isem1, tsem0, tsem1):
    c = lax.axis_index("c")
    s = lax.axis_index("s")
    wid = s * NC + c
    cbase = wid * CPT

    zeros16 = jnp.zeros((16,), jnp.float32)

    def _zrow(i, carry):
        for j in range(H // 16):
            ra0[i, pl.ds(j * 16, 16)] = zeros16
        return carry

    lax.fori_loop(0, CH, _zrow, 0)
    for r0, rn in _SLABS:
        pltpu.sync_copy(ra0.at[pl.ds(0, rn)],
                        acc.at[pl.ds(s * ROWS_PER_TILE + r0, rn)])
    plsc.subcore_barrier()

    def _issue_iab(cidx, iab, isem):
        pltpu.async_copy(iab_hbm.at[cidx], iab, isem)

    def _wait_iab(iab, isem):
        pltpu.make_async_copy(iab_hbm.at[0], iab, isem).wait()

    def _issue_tg(cidx, tg, tsem):
        pltpu.async_copy(tg_hbm.at[cidx], tg, tsem)

    def _wait_tg(tg, tsem):
        pltpu.make_async_copy(tg_hbm.at[0], tg, tsem).wait()

    def _issue_rows(iab, ra, rb, sa, sb):
        pltpu.async_copy(a_hbm.at[iab.at[0]], ra, sa)
        pltpu.async_copy(b_hbm.at[iab.at[1]], rb, sb)

    def _wait_rows(ra, rb, sa, sb):
        pltpu.make_async_copy(a_hbm.at[pl.ds(0, CH)], ra, sa).wait()
        pltpu.make_async_copy(b_hbm.at[pl.ds(0, CH)], rb, sb).wait()

    def _compute(ra, rb):
        def _row(i, rcarry):
            for j in range(H // 16):
                sl = pl.ds(j * 16, 16)
                ra[i, sl] = jnp.maximum(ra[i, sl] + rb[i, sl], 0.0)
            return rcarry

        lax.fori_loop(0, CH, _row, 0)

    _issue_iab(cbase, iab0, isem0)
    _issue_tg(cbase, tg0, tsem0)
    _issue_iab(cbase + 1, iab1, isem1)
    _issue_tg(cbase + 1, tg1, tsem1)
    _wait_iab(iab0, isem0)
    _issue_rows(iab0, ra0, rb0, sem_a0, sem_b0)

    def _pair(k, carry):
        c0 = cbase + 2 * k
        more = k < PAIRS - 1
        _wait_rows(ra0, rb0, sem_a0, sem_b0)

        @pl.when(more)
        def _():
            _issue_iab(c0 + 2, iab0, isem0)

        _wait_iab(iab1, isem1)
        _issue_rows(iab1, ra1, rb1, sem_a1, sem_b1)
        _compute(ra0, rb0)
        _wait_tg(tg0, tsem0)
        pltpu.sync_copy(ra0, acc.at[tg0], add=True)

        @pl.when(more)
        def _():
            _issue_tg(c0 + 2, tg0, tsem0)
            _wait_iab(iab0, isem0)
            _issue_rows(iab0, ra0, rb0, sem_a0, sem_b0)

        _wait_rows(ra1, rb1, sem_a1, sem_b1)
        _compute(ra1, rb1)
        _wait_tg(tg1, tsem1)
        pltpu.sync_copy(ra1, acc.at[tg1], add=True)

        @pl.when(more)
        def _():
            _issue_iab(c0 + 3, iab1, isem1)
            _issue_tg(c0 + 3, tg1, tsem1)

        return carry

    lax.fori_loop(0, PAIRS, _pair, 0)
    plsc.subcore_barrier()

    for r0, rn in _SLABS:
        row = s * ROWS_PER_TILE + r0
        pltpu.sync_copy(acc.at[pl.ds(row, rn)], ra0.at[pl.ds(0, rn)])
        pltpu.sync_copy(ra0.at[pl.ds(0, rn)], out_hbm.at[c, pl.ds(row, rn)])


_sc_edges = functools.partial(
    pl.kernel,
    _sc_body,
    out_type=jax.ShapeDtypeStruct((NC, ACC_ROWS, H), jnp.float32),
    mesh=plsc.VectorSubcoreMesh(core_axis_name="c", subcore_axis_name="s"),
    scratch_types=[
        pltpu.VMEM((2, CH), jnp.int32),
        pltpu.VMEM((2, CH), jnp.int32),
        pltpu.VMEM((CH,), jnp.int32),
        pltpu.VMEM((CH,), jnp.int32),
        pltpu.VMEM((CH, H), jnp.float32),
        pltpu.VMEM((CH, H), jnp.float32),
        pltpu.VMEM((CH, H), jnp.float32),
        pltpu.VMEM((CH, H), jnp.float32),
        pltpu.VMEM_SHARED((ACC_ROWS, H), jnp.float32),
        pltpu.SemaphoreType.DMA,
        pltpu.SemaphoreType.DMA,
        pltpu.SemaphoreType.DMA,
        pltpu.SemaphoreType.DMA,
        pltpu.SemaphoreType.DMA,
        pltpu.SemaphoreType.DMA,
        pltpu.SemaphoreType.DMA,
        pltpu.SemaphoreType.DMA,
    ],
)()


def _combine_body(p_ref, q_ref, o_ref):
    o_ref[...] = p_ref[0] + q_ref[0]


def _combine(partials):
    return pl.pallas_call(
        _combine_body,
        grid=(10,),
        in_specs=[
            pl.BlockSpec((1, 1000, H), lambda r: (0, r, 0)),
            pl.BlockSpec((1, 1000, H), lambda r: (1, r, 0)),
        ],
        out_specs=pl.BlockSpec((1000, H), lambda r: (r, 0)),
        out_shape=jax.ShapeDtypeStruct((N, H), jnp.float32),
    )(partials, partials)


def kernel(x, adj_lists, W, b):
    adj = adj_lists.astype(jnp.int32)
    toff = (jnp.arange(T, dtype=jnp.int32) * N)[:, None]
    idx_a = (adj[:, :, 0] + toff).reshape(-1)
    idx_b = (adj[:, :, 1] + toff).reshape(-1)
    tgt = adj[:, :, 1].reshape(-1)
    pad = E_PAD - T * E
    idx_a = jnp.concatenate([idx_a, jnp.zeros((pad,), jnp.int32)])
    idx_b = jnp.concatenate([idx_b, jnp.zeros((pad,), jnp.int32)])
    tgt = jnp.concatenate([tgt, jnp.full((pad,), N, jnp.int32)])

    iab = jnp.stack([idx_a.reshape(E_PAD // CH, CH),
                     idx_b.reshape(E_PAD // CH, CH)], axis=1)
    A, B = _project(x, W, b.reshape(T, 1, H))
    partials = _sc_edges(iab, tgt.reshape(E_PAD // CH, CH),
                         A.reshape(T * N, H), B.reshape(T * N, H))
    return _combine(partials)

# --- scband reference (transcript-rebuilt; emitter-appended) ---
"""Pipeline reference for scband-fi-lmrelational-mp-12403865551632 (READ-ONLY COPY).

The authoritative reference and input builder live on the scoring server;
editing this copy changes nothing except your own understanding.
"""

import jax, jax.numpy as jnp
import numpy as np

N_NODES = 10000
NUM_EDGE_TYPES = 4
EDGES_PER_TYPE = 80000
HIDDEN = 128
MSG = 128

def setup_inputs(seed: int = 0) -> dict:
    key = jax.random.key(seed)
    k_x, k_adj, k_w, k_b = jax.random.split(key, 4)
    x = jax.random.normal(k_x, (N_NODES, HIDDEN), dtype=jnp.float32)
    adj_lists = jax.random.randint(k_adj, (NUM_EDGE_TYPES, EDGES_PER_TYPE, 2), 0, N_NODES, dtype=jnp.int64)
    # One linear message fn per edge type: MLP(input_dim=2*hidden, out_dim=msg, no hidden layers)
    W = jax.random.normal(k_w, (NUM_EDGE_TYPES, 2 * HIDDEN, MSG), dtype=jnp.float32) * (1.0 / np.sqrt(2 * HIDDEN))
    b = jnp.zeros((NUM_EDGE_TYPES, MSG), dtype=jnp.float32)
    return {"x": x, "adj_lists": adj_lists, "W": W, "b": b}

def reference(x, adj_lists, W, b):
    all_msg_list = []
    all_tgts_list = []
    num_types = adj_lists.shape[0]
    for edge_type in range(num_types):
        adj = adj_lists[edge_type]
        srcs = adj[:, 0]
        tgts = adj[:, 1]
        h = jnp.concatenate((jnp.take(x, srcs, axis=0), jnp.take(x, tgts, axis=0)), axis=1)
        messages = h @ W[edge_type] + b[edge_type]
        messages = jax.nn.relu(messages)
        all_msg_list.append(messages)
        all_tgts_list.append(tgts)
    all_messages = jnp.concatenate(all_msg_list, axis=0)
    all_targets = jnp.concatenate(all_tgts_list, axis=0)
    aggregated = jax.ops.segment_sum(all_messages, all_targets, num_segments=x.shape[0])
    return aggregated

if __name__ == "__main__":
    import jax
    _d = setup_inputs()
    print(jax.jit(kernel)(*tuple(_d.values())))

</pallas_src>

<mosaic_0001>
#map = affine_map<(d0, d1) -> (0, 0, 0)>
#map1 = affine_map<(d0, d1) -> (0, 0)>
module attributes {stable_mosaic.version = 14 : i64} {
  func.func @_sc_body(%arg0: i32, %arg1: i32, %arg2: memref<3776x2x88xi32, #tpu.memory_space<hbm>>, %arg3: memref<3776x88xi32, #tpu.memory_space<hbm>>, %arg4: memref<40000x128xf32, #tpu.memory_space<hbm>>, %arg5: memref<40000x128xf32, #tpu.memory_space<hbm>>, %arg6: memref<2x10240x128xf32, #tpu.memory_space<hbm>>, %arg7: memref<2x88xi32, #tpu.memory_space<vmem>>, %arg8: memref<2x88xi32, #tpu.memory_space<vmem>>, %arg9: memref<88xi32, #tpu.memory_space<vmem>>, %arg10: memref<88xi32, #tpu.memory_space<vmem>>, %arg11: memref<88x128xf32, #tpu.memory_space<vmem>>, %arg12: memref<88x128xf32, #tpu.memory_space<vmem>>, %arg13: memref<88x128xf32, #tpu.memory_space<vmem>>, %arg14: memref<88x128xf32, #tpu.memory_space<vmem>>, %arg15: memref<10240x128xf32, #tpu.memory_space<vmem_shared>>, %arg16: memref<!tpu.dma_semaphore, #tpu.memory_space<semaphore_mem>>, %arg17: memref<!tpu.dma_semaphore, #tpu.memory_space<semaphore_mem>>, %arg18: memref<!tpu.dma_semaphore, #tpu.memory_space<semaphore_mem>>, %arg19: memref<!tpu.dma_semaphore, #tpu.memory_space<semaphore_mem>>, %arg20: memref<!tpu.dma_semaphore, #tpu.memory_space<semaphore_mem>>, %arg21: memref<!tpu.dma_semaphore, #tpu.memory_space<semaphore_mem>>, %arg22: memref<!tpu.dma_semaphore, #tpu.memory_space<semaphore_mem>>, %arg23: memref<!tpu.dma_semaphore, #tpu.memory_space<semaphore_mem>>) attributes {dimension_semantics = [#tpu.dimension_semantics<core_parallel>, #tpu.dimension_semantics<subcore_parallel>], iteration_bounds = array<i64: 2, 16>, scalar_prefetch = 0 : i64, scratch_operands = 17 : i64, tpu.core_type = #tpu.core_type<sc_vector_subcore>, window_params = [{transform_indices = #map}, {transform_indices = #map1}, {transform_indices = #map1}, {transform_indices = #map1}, {transform_indices = #map}]} {
    %mul3A = arith.constant 2 : i32
    %mul3A_0 = arith.muli %arg1, %mul3A : i32
    %add3A = arith.addi %mul3A_0, %arg0 : i32
    %mul3A_1 = arith.constant 118 : i32
    %mul3A_2 = arith.muli %add3A, %mul3A_1 : i32
    %broadcast_in_dim3A = arith.constant 0.000000e+00 : f32
    %broadcast_in_dim3A_3 = vector.broadcast %broadcast_in_dim3A : f32 to vector<16xf32>
    %scan3A = arith.constant 0 : i32
    %scan3A_4 = arith.constant 0 : i32
    %scan3A_5 = arith.constant 88 : i32
    %scan3A_6 = arith.addi %scan3A_4, %scan3A_5 : i32
    %scan3A_7 = arith.constant 1 : i32
    scf.for %scan3A_133 = %scan3A_4 to %scan3A_6 step %scan3A_7  : i32 {
      %swap3A = arith.index_cast %scan3A_133 : i32 to index
      %swap3A_134 = arith.constant 0 : index
      %swap3A_135 = tpu.vector_load %arg11[%swap3A, %swap3A_134] {strides = array<i32>} : memref<88x128xf32, #tpu.memory_space<vmem>>, vector<1x16xf32>,
      %swap3A_136 = vector.shape_cast %swap3A_135 : vector<1x16xf32> to vector<16xf32>
      %swap3A_137 = vector.shape_cast %broadcast_in_dim3A_3 : vector<16xf32> to vector<1x16xf32>
      tpu.vector_store %arg11[%swap3A, %swap3A_134], %swap3A_137 {strides = array<i32>} : memref<88x128xf32, #tpu.memory_space<vmem>>, vector<1x16xf32>,
      %swap3A_138 = arith.index_cast %scan3A_133 : i32 to index
      %swap3A_139 = arith.constant 16 : index
      %swap3A_140 = tpu.vector_load %arg11[%swap3A_138, %swap3A_139] {strides = array<i32>} : memref<88x128xf32, #tpu.memory_space<vmem>>, vector<1x16xf32>,
      %swap3A_141 = vector.shape_cast %swap3A_140 : vector<1x16xf32> to vector<16xf32>
      %swap3A_142 = vector.shape_cast %broadcast_in_dim3A_3 : vector<16xf32> to vector<1x16xf32>
      tpu.vector_store %arg11[%swap3A_138, %swap3A_139], %swap3A_142 {strides = array<i32>} : memref<88x128xf32, #tpu.memory_space<vmem>>, vector<1x16xf32>,
      %swap3A_143 = arith.index_cast %scan3A_133 : i32 to index
      %swap3A_144 = arith.constant 32 : index
      %swap3A_145 = tpu.vector_load %arg11[%swap3A_143, %swap3A_144] {strides = array<i32>} : memref<88x128xf32, #tpu.memory_space<vmem>>, vector<1x16xf32>,
      %swap3A_146 = vector.shape_cast %swap3A_145 : vector<1x16xf32> to vector<16xf32>
      %swap3A_147 = vector.shape_cast %broadcast_in_dim3A_3 : vector<16xf32> to vector<1x16xf32>
      tpu.vector_store %arg11[%swap3A_143, %swap3A_144], %swap3A_147 {strides = array<i32>} : memref<88x128xf32, #tpu.memory_space<vmem>>, vector<1x16xf32>,
      %swap3A_148 = arith.index_cast %scan3A_133 : i32 to index
      %swap3A_149 = arith.constant 48 : index
      %swap3A_150 = tpu.vector_load %arg11[%swap3A_148, %swap3A_149] {strides = array<i32>} : memref<88x128xf32, #tpu.memory_space<vmem>>, vector<1x16xf32>,
      %swap3A_151 = vector.shape_cast %swap3A_150 : vector<1x16xf32> to vector<16xf32>
      %swap3A_152 = vector.shape_cast %broadcast_in_dim3A_3 : vector<16xf32> to vector<1x16xf32>
      tpu.vector_store %arg11[%swap3A_148, %swap3A_149], %swap3A_152 {strides = array<i32>} : memref<88x128xf32, #tpu.memory_space<vmem>>, vector<1x16xf32>,
      %swap3A_153 = arith.index_cast %scan3A_133 : i32 to index
      %swap3A_154 = arith.constant 64 : index
      %swap3A_155 = tpu.vector_load %arg11[%swap3A_153, %swap3A_154] {strides = array<i32>} : memref<88x128xf32, #tpu.memory_space<vmem>>, vector<1x16xf32>,
      %swap3A_156 = vector.shape_cast %swap3A_155 : vector<1x16xf32> to vector<16xf32>
      %swap3A_157 = vector.shape_cast %broadcast_in_dim3A_3 : vector<16xf32> to vector<1x16xf32>
      tpu.vector_store %arg11[%swap3A_153, %swap3A_154], %swap3A_157 {strides = array<i32>} : memref<88x128xf32, #tpu.memory_space<vmem>>, vector<1x16xf32>,
      %swap3A_158 = arith.index_cast %scan3A_133 : i32 to index
      %swap3A_159 = arith.constant 80 : index
      %swap3A_160 = tpu.vector_load %arg11[%swap3A_158, %swap3A_159] {strides = array<i32>} : memref<88x128xf32, #tpu.memory_space<vmem>>, vector<1x16xf32>,
      %swap3A_161 = vector.shape_cast %swap3A_160 : vector<1x16xf32> to vector<16xf32>
      %swap3A_162 = vector.shape_cast %broadcast_in_dim3A_3 : vector<16xf32> to vector<1x16xf32>
      tpu.vector_store %arg11[%swap3A_158, %swap3A_159], %swap3A_162 {strides = array<i32>} : memref<88x128xf32, #tpu.memory_space<vmem>>, vector<1x16xf32>,
      %swap3A_163 = arith.index_cast %scan3A_133 : i32 to index
      %swap3A_164 = arith.constant 96 : index
      %swap3A_165 = tpu.vector_load %arg11[%swap3A_163, %swap3A_164] {strides = array<i32>} : memref<88x128xf32, #tpu.memory_space<vmem>>, vector<1x16xf32>,
      %swap3A_166 = vector.shape_cast %swap3A_165 : vector<1x16xf32> to vector<16xf32>
      %swap3A_167 = vector.shape_cast %broadcast_in_dim3A_3 : vector<16xf32> to vector<1x16xf32>
      tpu.vector_store %arg11[%swap3A_163, %swap3A_164], %swap3A_167 {strides = array<i32>} : memref<88x128xf32, #tpu.memory_space<vmem>>, vector<1x16xf32>,
      %swap3A_168 = arith.index_cast %scan3A_133 : i32 to index
      %swap3A_169 = arith.constant 112 : index
      %swap3A_170 = tpu.vector_load %arg11[%swap3A_168, %swap3A_169] {strides = array<i32>} : memref<88x128xf32, #tpu.memory_space<vmem>>, vector<1x16xf32>,
      %swap3A_171 = vector.shape_cast %swap3A_170 : vector<1x16xf32> to vector<16xf32>
      %swap3A_172 = vector.shape_cast %broadcast_in_dim3A_3 : vector<16xf32> to vector<1x16xf32>
      tpu.vector_store %arg11[%swap3A_168, %swap3A_169], %swap3A_172 {strides = array<i32>} : memref<88x128xf32, #tpu.memory_space<vmem>>, vector<1x16xf32>,
    }
    %scan3A_8 = arith.constant 88 : i32
    %mul3A_9 = arith.constant 640 : i32
    %mul3A_10 = arith.muli %arg1, %mul3A_9 : i32
    %add3A_11 = arith.constant 0 : i32
    %add3A_12 = arith.addi %mul3A_10, %add3A_11 : i32
    "tpu.region"() ({
      %run_scoped3A = tpu.sem_alloc : memref<!tpu.dma_semaphore, #tpu.memory_space<semaphore_mem>>
      %dma_start3A_133 = arith.constant 0 : i32
      %dma_start3A_134 = arith.constant 0 : i32
      %dma_start3A_135 = tpu.memref_slice %arg11[%dma_start3A_133, %dma_start3A_134] : memref<88x128xf32, #tpu.memory_space<vmem>> -> memref<88x128xf32, #tpu.memory_space<vmem>>
      %dma_start3A_136 = arith.constant 0 : i32
      %dma_start3A_137 = tpu.memref_slice %arg15[%add3A_12, %dma_start3A_136] : memref<10240x128xf32, #tpu.memory_space<vmem_shared>> -> memref<88x128xf32, #tpu.memory_space<vmem_shared>>
      %dma_start3A_138 = arith.constant 0 : i32
      %dma_start3A_139 = tpu.memref_slice %arg15[%add3A_12, %dma_start3A_138] : memref<10240x128xf32, #tpu.memory_space<vmem_shared>> -> memref<88x128xf32, #tpu.memory_space<vmem_shared>>
      %dma_start3A_140 = arith.constant 0 : i32
      %dma_start3A_141 = arith.constant 0 : i32
      %dma_start3A_142 = tpu.memref_slice %arg11[%dma_start3A_140, %dma_start3A_141] : memref<88x128xf32, #tpu.memory_space<vmem>> -> memref<88x128xf32, #tpu.memory_space<vmem>>
      tpu.enqueue_dma source(%dma_start3A_142 : memref<88x128xf32, #tpu.memory_space<vmem>>) target(%dma_start3A_139 : memref<88x128xf32, #tpu.memory_space<vmem_shared>>) target_semaphore(%run_scoped3A : memref<!tpu.dma_semaphore, #tpu.memory_space<semaphore_mem>>)
      %dma_wait3A_143 = arith.constant 0 : i32
      %dma_wait3A_144 = arith.constant 0 : i32
      %dma_wait3A_145 = tpu.memref_slice %arg11[%dma_wait3A_143, %dma_wait3A_144] : memref<88x128xf32, #tpu.memory_space<vmem>> -> memref<88x128xf32, #tpu.memory_space<vmem>>
      %dma_wait3A_146 = arith.constant 0 : i32
      %dma_wait3A_147 = tpu.memref_slice %arg15[%add3A_12, %dma_wait3A_146] : memref<10240x128xf32, #tpu.memory_space<vmem_shared>> -> memref<88x128xf32, #tpu.memory_space<vmem_shared>>
      %dma_wait3A_148 = arith.constant 0 : i32
      %dma_wait3A_149 = tpu.memref_slice %arg15[%add3A_12, %dma_wait3A_148] : memref<10240x128xf32, #tpu.memory_space<vmem_shared>> -> memref<88x128xf32, #tpu.memory_space<vmem_shared>>
      %dma_wait3A_150 = arith.constant 0 : i32
      %dma_wait3A_151 = arith.constant 0 : i32
      %dma_wait3A_152 = tpu.memref_slice %arg11[%dma_wait3A_150, %dma_wait3A_151] : memref<88x128xf32, #tpu.memory_space<vmem>> -> memref<88x128xf32, #tpu.memory_space<vmem>>
      tpu.wait_dma2 semaphore(%run_scoped3A : memref<!tpu.dma_semaphore, #tpu.memory_space<semaphore_mem>>) src(%dma_wait3A_152 : memref<88x128xf32, #tpu.memory_space<vmem>>) dst(%dma_wait3A_149 : memref<88x128xf32, #tpu.memory_space<vmem_shared>>)
      tpu.yield
    }) : () -> ()
    %mul3A_13 = arith.constant 640 : i32
    %mul3A_14 = arith.muli %arg1, %mul3A_13 : i32
    %add3A_15 = arith.constant 88 : i32
    %add3A_16 = arith.addi %mul3A_14, %add3A_15 : i32
    "tpu.region"() ({
      %run_scoped3A = tpu.sem_alloc : memref<!tpu.dma_semaphore, #tpu.memory_space<semaphore_mem>>
      %dma_start3A_133 = arith.constant 0 : i32
      %dma_start3A_134 = arith.constant 0 : i32
      %dma_start3A_135 = tpu.memref_slice %arg11[%dma_start3A_133, %dma_start3A_134] : memref<88x128xf32, #tpu.memory_space<vmem>> -> memref<88x128xf32, #tpu.memory_space<vmem>>
      %dma_start3A_136 = arith.constant 0 : i32
      %dma_start3A_137 = tpu.memref_slice %arg15[%add3A_16, %dma_start3A_136] : memref<10240x128xf32, #tpu.memory_space<vmem_shared>> -> memref<88x128xf32, #tpu.memory_space<vmem_shared>>
      %dma_start3A_138 = arith.constant 0 : i32
      %dma_start3A_139 = tpu.memref_slice %arg15[%add3A_16, %dma_start3A_138] : memref<10240x128xf32, #tpu.memory_space<vmem_shared>> -> memref<88x128xf32, #tpu.memory_space<vmem_shared>>
      %dma_start3A_140 = arith.constant 0 : i32
      %dma_start3A_141 = arith.constant 0 : i32
      %dma_start3A_142 = tpu.memref_slice %arg11[%dma_start3A_140, %dma_start3A_141] : memref<88x128xf32, #tpu.memory_space<vmem>> -> memref<88x128xf32, #tpu.memory_space<vmem>>
      tpu.enqueue_dma source(%dma_start3A_142 : memref<88x128xf32, #tpu.memory_space<vmem>>) target(%dma_start3A_139 : memref<88x128xf32, #tpu.memory_space<vmem_shared>>) target_semaphore(%run_scoped3A : memref<!tpu.dma_semaphore, #tpu.memory_space<semaphore_mem>>)
      %dma_wait3A_143 = arith.constant 0 : i32
      %dma_wait3A_144 = arith.constant 0 : i32
      %dma_wait3A_145 = tpu.memref_slice %arg11[%dma_wait3A_143, %dma_wait3A_144] : memref<88x128xf32, #tpu.memory_space<vmem>> -> memref<88x128xf32, #tpu.memory_space<vmem>>
      %dma_wait3A_146 = arith.constant 0 : i32
      %dma_wait3A_147 = tpu.memref_slice %arg15[%add3A_16, %dma_wait3A_146] : memref<10240x128xf32, #tpu.memory_space<vmem_shared>> -> memref<88x128xf32, #tpu.memory_space<vmem_shared>>
      %dma_wait3A_148 = arith.constant 0 : i32
      %dma_wait3A_149 = tpu.memref_slice %arg15[%add3A_16, %dma_wait3A_148] : memref<10240x128xf32, #tpu.memory_space<vmem_shared>> -> memref<88x128xf32, #tpu.memory_space<vmem_shared>>
      %dma_wait3A_150 = arith.constant 0 : i32
      %dma_wait3A_151 = arith.constant 0 : i32
      %dma_wait3A_152 = tpu.memref_slice %arg11[%dma_wait3A_150, %dma_wait3A_151] : memref<88x128xf32, #tpu.memory_space<vmem>> -> memref<88x128xf32, #tpu.memory_space<vmem>>
      tpu.wait_dma2 semaphore(%run_scoped3A : memref<!tpu.dma_semaphore, #tpu.memory_space<semaphore_mem>>) src(%dma_wait3A_152 : memref<88x128xf32, #tpu.memory_space<vmem>>) dst(%dma_wait3A_149 : memref<88x128xf32, #tpu.memory_space<vmem_shared>>)
      tpu.yield
    }) : () -> ()
    %mul3A_17 = arith.constant 640 : i32
    %mul3A_18 = arith.muli %arg1, %mul3A_17 : i32
    %add3A_19 = arith.constant 176 : i32
    %add3A_20 = arith.addi %mul3A_18, %add3A_19 : i32
    "tpu.region"() ({
      %run_scoped3A = tpu.sem_alloc : memref<!tpu.dma_semaphore, #tpu.memory_space<semaphore_mem>>
      %dma_start3A_133 = arith.constant 0 : i32
      %dma_start3A_134 = arith.constant 0 : i32
      %dma_start3A_135 = tpu.memref_slice %arg11[%dma_start3A_133, %dma_start3A_134] : memref<88x128xf32, #tpu.memory_space<vmem>> -> memref<88x128xf32, #tpu.memory_space<vmem>>
      %dma_start3A_136 = arith.constant 0 : i32
      %dma_start3A_137 = tpu.memref_slice %arg15[%add3A_20, %dma_start3A_136] : memref<10240x128xf32, #tpu.memory_space<vmem_shared>> -> memref<88x128xf32, #tpu.memory_space<vmem_shared>>
      %dma_start3A_138 = arith.constant 0 : i32
      %dma_start3A_139 = tpu.memref_slice %arg15[%add3A_20, %dma_start3A_138] : memref<10240x128xf32, #tpu.memory_space<vmem_shared>> -> memref<88x128xf32, #tpu.memory_space<vmem_shared>>
      %dma_start3A_140 = arith.constant 0 : i32
      %dma_start3A_141 = arith.constant 0 : i32
      %dma_start3A_142 = tpu.memref_slice %arg11[%dma_start3A_140, %dma_start3A_141] : memref<88x128xf32, #tpu.memory_space<vmem>> -> memref<88x128xf32, #tpu.memory_space<vmem>>
      tpu.enqueue_dma source(%dma_start3A_142 : memref<88x128xf32, #tpu.memory_space<vmem>>) target(%dma_start3A_139 : memref<88x128xf32, #tpu.memory_space<vmem_shared>>) target_semaphore(%run_scoped3A : memref<!tpu.dma_semaphore, #tpu.memory_space<semaphore_mem>>)
      %dma_wait3A_143 = arith.constant 0 : i32
      %dma_wait3A_144 = arith.constant 0 : i32
      %dma_wait3A_145 = tpu.memref_slice %arg11[%dma_wait3A_143, %dma_wait3A_144] : memref<88x128xf32, #tpu.memory_space<vmem>> -> memref<88x128xf32, #tpu.memory_space<vmem>>
      %dma_wait3A_146 = arith.constant 0 : i32
      %dma_wait3A_147 = tpu.memref_slice %arg15[%add3A_20, %dma_wait3A_146] : memref<10240x128xf32, #tpu.memory_space<vmem_shared>> -> memref<88x128xf32, #tpu.memory_space<vmem_shared>>
      %dma_wait3A_148 = arith.constant 0 : i32
      %dma_wait3A_149 = tpu.memref_slice %arg15[%add3A_20, %dma_wait3A_148] : memref<10240x128xf32, #tpu.memory_space<vmem_shared>> -> memref<88x128xf32, #tpu.memory_space<vmem_shared>>
      %dma_wait3A_150 = arith.constant 0 : i32
      %dma_wait3A_151 = arith.constant 0 : i32
      %dma_wait3A_152 = tpu.memref_slice %arg11[%dma_wait3A_150, %dma_wait3A_151] : memref<88x128xf32, #tpu.memory_space<vmem>> -> memref<88x128xf32, #tpu.memory_space<vmem>>
      tpu.wait_dma2 semaphore(%run_scoped3A : memref<!tpu.dma_semaphore, #tpu.memory_space<semaphore_mem>>) src(%dma_wait3A_152 : memref<88x128xf32, #tpu.memory_space<vmem>>) dst(%dma_wait3A_149 : memref<88x128xf32, #tpu.memory_space<vmem_shared>>)
      tpu.yield
    }) : () -> ()
    %mul3A_21 = arith.constant 640 : i32
    %mul3A_22 = arith.muli %arg1, %mul3A_21 : i32
    %add3A_23 = arith.constant 264 : i32
    %add3A_24 = arith.addi %mul3A_22, %add3A_23 : i32
    "tpu.region"() ({
      %run_scoped3A = tpu.sem_alloc : memref<!tpu.dma_semaphore, #tpu.memory_space<semaphore_mem>>
      %dma_start3A_133 = arith.constant 0 : i32
      %dma_start3A_134 = arith.constant 0 : i32
      %dma_start3A_135 = tpu.memref_slice %arg11[%dma_start3A_133, %dma_start3A_134] : memref<88x128xf32, #tpu.memory_space<vmem>> -> memref<88x128xf32, #tpu.memory_space<vmem>>
      %dma_start3A_136 = arith.constant 0 : i32
      %dma_start3A_137 = tpu.memref_slice %arg15[%add3A_24, %dma_start3A_136] : memref<10240x128xf32, #tpu.memory_space<vmem_shared>> -> memref<88x128xf32, #tpu.memory_space<vmem_shared>>
      %dma_start3A_138 = arith.constant 0 : i32
      %dma_start3A_139 = tpu.memref_slice %arg15[%add3A_24, %dma_start3A_138] : memref<10240x128xf32, #tpu.memory_space<vmem_shared>> -> memref<88x128xf32, #tpu.memory_space<vmem_shared>>
      %dma_start3A_140 = arith.constant 0 : i32
      %dma_start3A_141 = arith.constant 0 : i32
      %dma_start3A_142 = tpu.memref_slice %arg11[%dma_start3A_140, %dma_start3A_141] : memref<88x128xf32, #tpu.memory_space<vmem>> -> memref<88x128xf32, #tpu.memory_space<vmem>>
      tpu.enqueue_dma source(%dma_start3A_142 : memref<88x128xf32, #tpu.memory_space<vmem>>) target(%dma_start3A_139 : memref<88x128xf32, #tpu.memory_space<vmem_shared>>) target_semaphore(%run_scoped3A : memref<!tpu.dma_semaphore, #tpu.memory_space<semaphore_mem>>)
      %dma_wait3A_143 = arith.constant 0 : i32
      %dma_wait3A_144 = arith.constant 0 : i32
      %dma_wait3A_145 = tpu.memref_slice %arg11[%dma_wait3A_143, %dma_wait3A_144] : memref<88x128xf32, #tpu.memory_space<vmem>> -> memref<88x128xf32, #tpu.memory_space<vmem>>
      %dma_wait3A_146 = arith.constant 0 : i32
      %dma_wait3A_147 = tpu.memref_slice %arg15[%add3A_24, %dma_wait3A_146] : memref<10240x128xf32, #tpu.memory_space<vmem_shared>> -> memref<88x128xf32, #tpu.memory_space<vmem_shared>>
      %dma_wait3A_148 = arith.constant 0 : i32
      %dma_wait3A_149 = tpu.memref_slice %arg15[%add3A_24, %dma_wait3A_148] : memref<10240x128xf32, #tpu.memory_space<vmem_shared>> -> memref<88x128xf32, #tpu.memory_space<vmem_shared>>
      %dma_wait3A_150 = arith.constant 0 : i32
      %dma_wait3A_151 = arith.constant 0 : i32
      %dma_wait3A_152 = tpu.memref_slice %arg11[%dma_wait3A_150, %dma_wait3A_151] : memref<88x128xf32, #tpu.memory_space<vmem>> -> memref<88x128xf32, #tpu.memory_space<vmem>>
      tpu.wait_dma2 semaphore(%run_scoped3A : memref<!tpu.dma_semaphore, #tpu.memory_space<semaphore_mem>>) src(%dma_wait3A_152 : memref<88x128xf32, #tpu.memory_space<vmem>>) dst(%dma_wait3A_149 : memref<88x128xf32, #tpu.memory_space<vmem_shared>>)
      tpu.yield
    }) : () -> ()
    %mul3A_25 = arith.constant 640 : i32
    %mul3A_26 = arith.muli %arg1, %mul3A_25 : i32
    %add3A_27 = arith.constant 352 : i32
    %add3A_28 = arith.addi %mul3A_26, %add3A_27 : i32
    "tpu.region"() ({
      %run_scoped3A = tpu.sem_alloc : memref<!tpu.dma_semaphore, #tpu.memory_space<semaphore_mem>>
      %dma_start3A_133 = arith.constant 0 : i32
      %dma_start3A_134 = arith.constant 0 : i32
      %dma_start3A_135 = tpu.memref_slice %arg11[%dma_start3A_133, %dma_start3A_134] : memref<88x128xf32, #tpu.memory_space<vmem>> -> memref<88x128xf32, #tpu.memory_space<vmem>>
      %dma_start3A_136 = arith.constant 0 : i32
      %dma_start3A_137 = tpu.memref_slice %arg15[%add3A_28, %dma_start3A_136] : memref<10240x128xf32, #tpu.memory_space<vmem_shared>> -> memref<88x128xf32, #tpu.memory_space<vmem_shared>>
      %dma_start3A_138 = arith.constant 0 : i32
      %dma_start3A_139 = tpu.memref_slice %arg15[%add3A_28, %dma_start3A_138] : memref<10240x128xf32, #tpu.memory_space<vmem_shared>> -> memref<88x128xf32, #tpu.memory_space<vmem_shared>>
      %dma_start3A_140 = arith.constant 0 : i32
      %dma_start3A_141 = arith.constant 0 : i32
      %dma_start3A_142 = tpu.memref_slice %arg11[%dma_start3A_140, %dma_start3A_141] : memref<88x128xf32, #tpu.memory_space<vmem>> -> memref<88x128xf32, #tpu.memory_space<vmem>>
      tpu.enqueue_dma source(%dma_start3A_142 : memref<88x128xf32, #tpu.memory_space<vmem>>) target(%dma_start3A_139 : memref<88x128xf32, #tpu.memory_space<vmem_shared>>) target_semaphore(%run_scoped3A : memref<!tpu.dma_semaphore, #tpu.memory_space<semaphore_mem>>)
      %dma_wait3A_143 = arith.constant 0 : i32
      %dma_wait3A_144 = arith.constant 0 : i32
      %dma_wait3A_145 = tpu.memref_slice %arg11[%dma_wait3A_143, %dma_wait3A_144] : memref<88x128xf32, #tpu.memory_space<vmem>> -> memref<88x128xf32, #tpu.memory_space<vmem>>
      %dma_wait3A_146 = arith.constant 0 : i32
      %dma_wait3A_147 = tpu.memref_slice %arg15[%add3A_28, %dma_wait3A_146] : memref<10240x128xf32, #tpu.memory_space<vmem_shared>> -> memref<88x128xf32, #tpu.memory_space<vmem_shared>>
      %dma_wait3A_148 = arith.constant 0 : i32
      %dma_wait3A_149 = tpu.memref_slice %arg15[%add3A_28, %dma_wait3A_148] : memref<10240x128xf32, #tpu.memory_space<vmem_shared>> -> memref<88x128xf32, #tpu.memory_space<vmem_shared>>
      %dma_wait3A_150 = arith.constant 0 : i32
      %dma_wait3A_151 = arith.constant 0 : i32
      %dma_wait3A_152 = tpu.memref_slice %arg11[%dma_wait3A_150, %dma_wait3A_151] : memref<88x128xf32, #tpu.memory_space<vmem>> -> memref<88x128xf32, #tpu.memory_space<vmem>>
      tpu.wait_dma2 semaphore(%run_scoped3A : memref<!tpu.dma_semaphore, #tpu.memory_space<semaphore_mem>>) src(%dma_wait3A_152 : memref<88x128xf32, #tpu.memory_space<vmem>>) dst(%dma_wait3A_149 : memref<88x128xf32, #tpu.memory_space<vmem_shared>>)
      tpu.yield
    }) : () -> ()
    %mul3A_29 = arith.constant 640 : i32
    %mul3A_30 = arith.muli %arg1, %mul3A_29 : i32
    %add3A_31 = arith.constant 440 : i32
    %add3A_32 = arith.addi %mul3A_30, %add3A_31 : i32
    "tpu.region"() ({
      %run_scoped3A = tpu.sem_alloc : memref<!tpu.dma_semaphore, #tpu.memory_space<semaphore_mem>>
      %dma_start3A_133 = arith.constant 0 : i32
      %dma_start3A_134 = arith.constant 0 : i32
      %dma_start3A_135 = tpu.memref_slice %arg11[%dma_start3A_133, %dma_start3A_134] : memref<88x128xf32, #tpu.memory_space<vmem>> -> memref<88x128xf32, #tpu.memory_space<vmem>>
      %dma_start3A_136 = arith.constant 0 : i32
      %dma_start3A_137 = tpu.memref_slice %arg15[%add3A_32, %dma_start3A_136] : memref<10240x128xf32, #tpu.memory_space<vmem_shared>> -> memref<88x128xf32, #tpu.memory_space<vmem_shared>>
      %dma_start3A_138 = arith.constant 0 : i32
      %dma_start3A_139 = tpu.memref_slice %arg15[%add3A_32, %dma_start3A_138] : memref<10240x128xf32, #tpu.memory_space<vmem_shared>> -> memref<88x128xf32, #tpu.memory_space<vmem_shared>>
      %dma_start3A_140 = arith.constant 0 : i32
      %dma_start3A_141 = arith.constant 0 : i32
      %dma_start3A_142 = tpu.memref_slice %arg11[%dma_start3A_140, %dma_start3A_141] : memref<88x128xf32, #tpu.memory_space<vmem>> -> memref<88x128xf32, #tpu.memory_space<vmem>>
      tpu.enqueue_dma source(%dma_start3A_142 : memref<88x128xf32, #tpu.memory_space<vmem>>) target(%dma_start3A_139 : memref<88x128xf32, #tpu.memory_space<vmem_shared>>) target_semaphore(%run_scoped3A : memref<!tpu.dma_semaphore, #tpu.memory_space<semaphore_mem>>)
      %dma_wait3A_143 = arith.constant 0 : i32
      %dma_wait3A_144 = arith.constant 0 : i32
      %dma_wait3A_145 = tpu.memref_slice %arg11[%dma_wait3A_143, %dma_wait3A_144] : memref<88x128xf32, #tpu.memory_space<vmem>> -> memref<88x128xf32, #tpu.memory_space<vmem>>
      %dma_wait3A_146 = arith.constant 0 : i32
      %dma_wait3A_147 = tpu.memref_slice %arg15[%add3A_32, %dma_wait3A_146] : memref<10240x128xf32, #tpu.memory_space<vmem_shared>> -> memref<88x128xf32, #tpu.memory_space<vmem_shared>>
      %dma_wait3A_148 = arith.constant 0 : i32
      %dma_wait3A_149 = tpu.memref_slice %arg15[%add3A_32, %dma_wait3A_148] : memref<10240x128xf32, #tpu.memory_space<vmem_shared>> -> memref<88x128xf32, #tpu.memory_space<vmem_shared>>
      %dma_wait3A_150 = arith.constant 0 : i32
      %dma_wait3A_151 = arith.constant 0 : i32
      %dma_wait3A_152 = tpu.memref_slice %arg11[%dma_wait3A_150, %dma_wait3A_151] : memref<88x128xf32, #tpu.memory_space<vmem>> -> memref<88x128xf32, #tpu.memory_space<vmem>>
      tpu.wait_dma2 semaphore(%run_scoped3A : memref<!tpu.dma_semaphore, #tpu.memory_space<semaphore_mem>>) src(%dma_wait3A_152 : memref<88x128xf32, #tpu.memory_space<vmem>>) dst(%dma_wait3A_149 : memref<88x128xf32, #tpu.memory_space<vmem_shared>>)
      tpu.yield
    }) : () -> ()
    %mul3A_33 = arith.constant 640 : i32
    %mul3A_34 = arith.muli %arg1, %mul3A_33 : i32
    %add3A_35 = arith.constant 528 : i32
    %add3A_36 = arith.addi %mul3A_34, %add3A_35 : i32
    "tpu.region"() ({
      %run_scoped3A = tpu.sem_alloc : memref<!tpu.dma_semaphore, #tpu.memory_space<semaphore_mem>>
      %dma_start3A_133 = arith.constant 0 : i32
      %dma_start3A_134 = arith.constant 0 : i32
      %dma_start3A_135 = tpu.memref_slice %arg11[%dma_start3A_133, %dma_start3A_134] : memref<88x128xf32, #tpu.memory_space<vmem>> -> memref<88x128xf32, #tpu.memory_space<vmem>>
      %dma_start3A_136 = arith.constant 0 : i32
      %dma_start3A_137 = tpu.memref_slice %arg15[%add3A_36, %dma_start3A_136] : memref<10240x128xf32, #tpu.memory_space<vmem_shared>> -> memref<88x128xf32, #tpu.memory_space<vmem_shared>>
      %dma_start3A_138 = arith.constant 0 : i32
      %dma_start3A_139 = tpu.memref_slice %arg15[%add3A_36, %dma_start3A_138] : memref<10240x128xf32, #tpu.memory_space<vmem_shared>> -> memref<88x128xf32, #tpu.memory_space<vmem_shared>>
      %dma_start3A_140 = arith.constant 0 : i32
      %dma_start3A_141 = arith.constant 0 : i32
      %dma_start3A_142 = tpu.memref_slice %arg11[%dma_start3A_140, %dma_start3A_141] : memref<88x128xf32, #tpu.memory_space<vmem>> -> memref<88x128xf32, #tpu.memory_space<vmem>>
      tpu.enqueue_dma source(%dma_start3A_142 : memref<88x128xf32, #tpu.memory_space<vmem>>) target(%dma_start3A_139 : memref<88x128xf32, #tpu.memory_space<vmem_shared>>) target_semaphore(%run_scoped3A : memref<!tpu.dma_semaphore, #tpu.memory_space<semaphore_mem>>)
      %dma_wait3A_143 = arith.constant 0 : i32
      %dma_wait3A_144 = arith.constant 0 : i32
      %dma_wait3A_145 = tpu.memref_slice %arg11[%dma_wait3A_143, %dma_wait3A_144] : memref<88x128xf32, #tpu.memory_space<vmem>> -> memref<88x128xf32, #tpu.memory_space<vmem>>
      %dma_wait3A_146 = arith.constant 0 : i32
      %dma_wait3A_147 = tpu.memref_slice %arg15[%add3A_36, %dma_wait3A_146] : memref<10240x128xf32, #tpu.memory_space<vmem_shared>> -> memref<88x128xf32, #tpu.memory_space<vmem_shared>>
      %dma_wait3A_148 = arith.constant 0 : i32
      %dma_wait3A_149 = tpu.memref_slice %arg15[%add3A_36, %dma_wait3A_148] : memref<10240x128xf32, #tpu.memory_space<vmem_shared>> -> memref<88x128xf32, #tpu.memory_space<vmem_shared>>
      %dma_wait3A_150 = arith.constant 0 : i32
      %dma_wait3A_151 = arith.constant 0 : i32
      %dma_wait3A_152 = tpu.memref_slice %arg11[%dma_wait3A_150, %dma_wait3A_151] : memref<88x128xf32, #tpu.memory_space<vmem>> -> memref<88x128xf32, #tpu.memory_space<vmem>>
      tpu.wait_dma2 semaphore(%run_scoped3A : memref<!tpu.dma_semaphore, #tpu.memory_space<semaphore_mem>>) src(%dma_wait3A_152 : memref<88x128xf32, #tpu.memory_space<vmem>>) dst(%dma_wait3A_149 : memref<88x128xf32, #tpu.memory_space<vmem_shared>>)
      tpu.yield
    }) : () -> ()
    %mul3A_37 = arith.constant 640 : i32
    %mul3A_38 = arith.muli %arg1, %mul3A_37 : i32
    %add3A_39 = arith.constant 616 : i32
    %add3A_40 = arith.addi %mul3A_38, %add3A_39 : i32
    "tpu.region"() ({
      %run_scoped3A = tpu.sem_alloc : memref<!tpu.dma_semaphore, #tpu.memory_space<semaphore_mem>>
      %dma_start3A_133 = arith.constant 0 : i32
      %dma_start3A_134 = arith.constant 0 : i32
      %dma_start3A_135 = tpu.memref_slice %arg11[%dma_start3A_133, %dma_start3A_134] : memref<88x128xf32, #tpu.memory_space<vmem>> -> memref<24x128xf32, #tpu.memory_space<vmem>>
      %dma_start3A_136 = arith.constant 0 : i32
      %dma_start3A_137 = tpu.memref_slice %arg15[%add3A_40, %dma_start3A_136] : memref<10240x128xf32, #tpu.memory_space<vmem_shared>> -> memref<24x128xf32, #tpu.memory_space<vmem_shared>>
      %dma_start3A_138 = arith.constant 0 : i32
      %dma_start3A_139 = tpu.memref_slice %arg15[%add3A_40, %dma_start3A_138] : memref<10240x128xf32, #tpu.memory_space<vmem_shared>> -> memref<24x128xf32, #tpu.memory_space<vmem_shared>>
      %dma_start3A_140 = arith.constant 0 : i32
      %dma_start3A_141 = arith.constant 0 : i32
      %dma_start3A_142 = tpu.memref_slice %arg11[%dma_start3A_140, %dma_start3A_141] : memref<88x128xf32, #tpu.memory_space<vmem>> -> memref<24x128xf32, #tpu.memory_space<vmem>>
      tpu.enqueue_dma source(%dma_start3A_142 : memref<24x128xf32, #tpu.memory_space<vmem>>) target(%dma_start3A_139 : memref<24x128xf32, #tpu.memory_space<vmem_shared>>) target_semaphore(%run_scoped3A : memref<!tpu.dma_semaphore, #tpu.memory_space<semaphore_mem>>)
      %dma_wait3A_143 = arith.constant 0 : i32
      %dma_wait3A_144 = arith.constant 0 : i32
      %dma_wait3A_145 = tpu.memref_slice %arg11[%dma_wait3A_143, %dma_wait3A_144] : memref<88x128xf32, #tpu.memory_space<vmem>> -> memref<24x128xf32, #tpu.memory_space<vmem>>
      %dma_wait3A_146 = arith.constant 0 : i32
      %dma_wait3A_147 = tpu.memref_slice %arg15[%add3A_40, %dma_wait3A_146] : memref<10240x128xf32, #tpu.memory_space<vmem_shared>> -> memref<24x128xf32, #tpu.memory_space<vmem_shared>>
      %dma_wait3A_148 = arith.constant 0 : i32
      %dma_wait3A_149 = tpu.memref_slice %arg15[%add3A_40, %dma_wait3A_148] : memref<10240x128xf32, #tpu.memory_space<vmem_shared>> -> memref<24x128xf32, #tpu.memory_space<vmem_shared>>
      %dma_wait3A_150 = arith.constant 0 : i32
      %dma_wait3A_151 = arith.constant 0 : i32
      %dma_wait3A_152 = tpu.memref_slice %arg11[%dma_wait3A_150, %dma_wait3A_151] : memref<88x128xf32, #tpu.memory_space<vmem>> -> memref<24x128xf32, #tpu.memory_space<vmem>>
      tpu.wait_dma2 semaphore(%run_scoped3A : memref<!tpu.dma_semaphore, #tpu.memory_space<semaphore_mem>>) src(%dma_wait3A_152 : memref<24x128xf32, #tpu.memory_space<vmem>>) dst(%dma_wait3A_149 : memref<24x128xf32, #tpu.memory_space<vmem_shared>>)
      tpu.yield
    }) : () -> ()
    %barrier3A = arith.constant 0 : index
    tpu.barrier barrier_id(%barrier3A)
    %dma_start3A = arith.constant 0 : i32
    %dma_start3A_41 = arith.constant 0 : i32
    %dma_start3A_42 = tpu.memref_slice %arg2[%mul3A_2, %dma_start3A, %dma_start3A_41] : memref<3776x2x88xi32, #tpu.memory_space<hbm>> -> memref<1x2x88xi32, #tpu.memory_space<hbm>>
    %dma_start3A_43 = tpu.memref_squeeze %dma_start3A_42 : memref<1x2x88xi32, #tpu.memory_space<hbm>> -> memref<2x88xi32, #tpu.memory_space<hbm>>
    %dma_start3A_44 = arith.constant 0 : i32
    %dma_start3A_45 = arith.constant 0 : i32
    %dma_start3A_46 = tpu.memref_slice %arg2[%mul3A_2, %dma_start3A_44, %dma_start3A_45] : memref<3776x2x88xi32, #tpu.memory_space<hbm>> -> memref<1x2x88xi32, #tpu.memory_space<hbm>>
    %dma_start3A_47 = tpu.memref_squeeze %dma_start3A_46 : memref<1x2x88xi32, #tpu.memory_space<hbm>> -> memref<2x88xi32, #tpu.memory_space<hbm>>
    tpu.enqueue_dma source(%dma_start3A_47 : memref<2x88xi32, #tpu.memory_space<hbm>>) target(%arg7 : memref<2x88xi32, #tpu.memory_space<vmem>>) target_semaphore(%arg20 : memref<!tpu.dma_semaphore, #tpu.memory_space<semaphore_mem>>)
    %dma_start3A_48 = arith.constant 0 : i32
    %dma_start3A_49 = tpu.memref_slice %arg3[%mul3A_2, %dma_start3A_48] : memref<3776x88xi32, #tpu.memory_space<hbm>> -> memref<1x88xi32, #tpu.memory_space<hbm>>
    %dma_start3A_50 = tpu.memref_squeeze %dma_start3A_49 : memref<1x88xi32, #tpu.memory_space<hbm>> -> memref<88xi32, #tpu.memory_space<hbm>>
    %dma_start3A_51 = arith.constant 0 : i32
    %dma_start3A_52 = tpu.memref_slice %arg3[%mul3A_2, %dma_start3A_51] : memref<3776x88xi32, #tpu.memory_space<hbm>> -> memref<1x88xi32, #tpu.memory_space<hbm>>
    %dma_start3A_53 = tpu.memref_squeeze %dma_start3A_52 : memref<1x88xi32, #tpu.memory_space<hbm>> -> memref<88xi32, #tpu.memory_space<hbm>>
    tpu.enqueue_dma source(%dma_start3A_53 : memref<88xi32, #tpu.memory_space<hbm>>) target(%arg9 : memref<88xi32, #tpu.memory_space<vmem>>) target_semaphore(%arg22 : memref<!tpu.dma_semaphore, #tpu.memory_space<semaphore_mem>>)
    %add3A_54 = arith.constant 1 : i32
    %add3A_55 = arith.addi %mul3A_2, %add3A_54 : i32
    %dma_start3A_56 = arith.constant 0 : i32
    %dma_start3A_57 = arith.constant 0 : i32
    %dma_start3A_58 = tpu.memref_slice %arg2[%add3A_55, %dma_start3A_56, %dma_start3A_57] : memref<3776x2x88xi32, #tpu.memory_space<hbm>> -> memref<1x2x88xi32, #tpu.memory_space<hbm>>
    %dma_start3A_59 = tpu.memref_squeeze %dma_start3A_58 : memref<1x2x88xi32, #tpu.memory_space<hbm>> -> memref<2x88xi32, #tpu.memory_space<hbm>>
    %dma_start3A_60 = arith.constant 0 : i32
    %dma_start3A_61 = arith.constant 0 : i32
    %dma_start3A_62 = tpu.memref_slice %arg2[%add3A_55, %dma_start3A_60, %dma_start3A_61] : memref<3776x2x88xi32, #tpu.memory_space<hbm>> -> memref<1x2x88xi32, #tpu.memory_space<hbm>>
    %dma_start3A_63 = tpu.memref_squeeze %dma_start3A_62 : memref<1x2x88xi32, #tpu.memory_space<hbm>> -> memref<2x88xi32, #tpu.memory_space<hbm>>
    tpu.enqueue_dma source(%dma_start3A_63 : memref<2x88xi32, #tpu.memory_space<hbm>>) target(%arg8 : memref<2x88xi32, #tpu.memory_space<vmem>>) target_semaphore(%arg21 : memref<!tpu.dma_semaphore, #tpu.memory_space<semaphore_mem>>)
    %add3A_64 = arith.constant 1 : i32
    %add3A_65 = arith.addi %mul3A_2, %add3A_64 : i32
    %dma_start3A_66 = arith.constant 0 : i32
    %dma_start3A_67 = tpu.memref_slice %arg3[%add3A_65, %dma_start3A_66] : memref<3776x88xi32, #tpu.memory_space<hbm>> -> memref<1x88xi32, #tpu.memory_space<hbm>>
    %dma_start3A_68 = tpu.memref_squeeze %dma_start3A_67 : memref<1x88xi32, #tpu.memory_space<hbm>> -> memref<88xi32, #tpu.memory_space<hbm>>
    %dma_start3A_69 = arith.constant 0 : i32
    %dma_start3A_70 = tpu.memref_slice %arg3[%add3A_65, %dma_start3A_69] : memref<3776x88xi32, #tpu.memory_space<hbm>> -> memref<1x88xi32, #tpu.memory_space<hbm>>
    %dma_start3A_71 = tpu.memref_squeeze %dma_start3A_70 : memref<1x88xi32, #tpu.memory_space<hbm>> -> memref<88xi32, #tpu.memory_space<hbm>>
    tpu.enqueue_dma source(%dma_start3A_71 : memref<88xi32, #tpu.memory_space<hbm>>) target(%arg10 : memref<88xi32, #tpu.memory_space<vmem>>) target_semaphore(%arg23 : memref<!tpu.dma_semaphore, #tpu.memory_space<semaphore_mem>>)
    %dma_wait3A = arith.constant 0 : i32
    %dma_wait3A_72 = arith.constant 0 : i32
    %dma_wait3A_73 = arith.constant 0 : i32
    %dma_wait3A_74 = tpu.memref_slice %arg2[%dma_wait3A, %dma_wait3A_72, %dma_wait3A_73] : memref<3776x2x88xi32, #tpu.memory_space<hbm>> -> memref<1x2x88xi32, #tpu.memory_space<hbm>>
    %dma_wait3A_75 = tpu.memref_squeeze %dma_wait3A_74 : memref<1x2x88xi32, #tpu.memory_space<hbm>> -> memref<2x88xi32, #tpu.memory_space<hbm>>
    %dma_wait3A_76 = arith.constant 0 : i32
    %dma_wait3A_77 = arith.constant 0 : i32
    %dma_wait3A_78 = tpu.memref_slice %arg2[%dma_wait3A, %dma_wait3A_76, %dma_wait3A_77] : memref<3776x2x88xi32, #tpu.memory_space<hbm>> -> memref<1x2x88xi32, #tpu.memory_space<hbm>>
    %dma_wait3A_79 = tpu.memref_squeeze %dma_wait3A_78 : memref<1x2x88xi32, #tpu.memory_space<hbm>> -> memref<2x88xi32, #tpu.memory_space<hbm>>
    tpu.wait_dma2 semaphore(%arg20 : memref<!tpu.dma_semaphore, #tpu.memory_space<semaphore_mem>>) src(%dma_wait3A_79 : memref<2x88xi32, #tpu.memory_space<hbm>>) dst(%arg7 : memref<2x88xi32, #tpu.memory_space<vmem>>)
    %dma_start3A_80 = arith.constant 0 : i32
    %dma_start3A_81 = arith.constant 0 : i32
    %dma_start3A_82 = tpu.memref_slice %arg7[%dma_start3A_80, %dma_start3A_81] : memref<2x88xi32, #tpu.memory_space<vmem>> -> memref<1x88xi32, #tpu.memory_space<vmem>>
    %dma_start3A_83 = tpu.memref_squeeze %dma_start3A_82 : memref<1x88xi32, #tpu.memory_space<vmem>> -> memref<88xi32, #tpu.memory_space<vmem>>
    %dma_start3A_84 = arith.constant 0 : i32
    %dma_start3A_85 = arith.constant 0 : i32
    %dma_start3A_86 = tpu.memref_slice %arg4[%dma_start3A_84, %dma_start3A_85] : memref<40000x128xf32, #tpu.memory_space<hbm>> -> memref<40000x128xf32, #tpu.memory_space<hbm>>
    tpu.enqueue_indirect_dma source(%dma_start3A_86 : memref<40000x128xf32, #tpu.memory_space<hbm>>) target(%arg11 : memref<88x128xf32, #tpu.memory_space<vmem>>) offsets(%dma_start3A_83 : memref<88xi32, #tpu.memory_space<vmem>>) semaphore(%arg16 : memref<!tpu.dma_semaphore, #tpu.memory_space<semaphore_mem>>)
    %dma_start3A_87 = arith.constant 1 : i32
    %dma_start3A_88 = arith.constant 0 : i32
    %dma_start3A_89 = tpu.memref_slice %arg7[%dma_start3A_87, %dma_start3A_88] : memref<2x88xi32, #tpu.memory_space<vmem>> -> memref<1x88xi32, #tpu.memory_space<vmem>>
    %dma_start3A_90 = tpu.memref_squeeze %dma_start3A_89 : memref<1x88xi32, #tpu.memory_space<vmem>> -> memref<88xi32, #tpu.memory_space<vmem>>
    %dma_start3A_91 = arith.constant 0 : i32
    %dma_start3A_92 = arith.constant 0 : i32
    %dma_start3A_93 = tpu.memref_slice %arg5[%dma_start3A_91, %dma_start3A_92] : memref<40000x128xf32, #tpu.memory_space<hbm>> -> memref<40000x128xf32, #tpu.memory_space<hbm>>
    tpu.enqueue_indirect_dma source(%dma_start3A_93 : memref<40000x128xf32, #tpu.memory_space<hbm>>) target(%arg12 : memref<88x128xf32, #tpu.memory_space<vmem>>) offsets(%dma_start3A_90 : memref<88xi32, #tpu.memory_space<vmem>>) semaphore(%arg17 : memref<!tpu.dma_semaphore, #tpu.memory_space<semaphore_mem>>)
    %scan3A_94 = arith.constant 0 : i32
    %scan3A_95 = arith.constant 0 : i32
    %scan3A_96 = arith.constant 59 : i32
    %scan3A_97 = arith.addi %scan3A_95, %scan3A_96 : i32
    %scan3A_98 = arith.constant 1 : i32
    scf.for %scan3A_133 = %scan3A_95 to %scan3A_97 step %scan3A_98  : i32 {
      %mul3A_134 = arith.constant 2 : i32
      %mul3A_135 = arith.muli %mul3A_134, %scan3A_133 : i32
      %add3A_136 = arith.addi %mul3A_2, %mul3A_135 : i32
      %lt3A = arith.constant 58 : i32
      %lt3A_137 = arith.cmpi slt, %scan3A_133, %lt3A : i32
      %dma_wait3A_138 = arith.constant 0 : i32
      %dma_wait3A_139 = arith.constant 0 : i32
      %dma_wait3A_140 = tpu.memref_slice %arg4[%dma_wait3A_138, %dma_wait3A_139] : memref<40000x128xf32, #tpu.memory_space<hbm>> -> memref<88x128xf32, #tpu.memory_space<hbm>>
      %dma_wait3A_141 = arith.constant 0 : i32
      %dma_wait3A_142 = arith.constant 0 : i32
      %dma_wait3A_143 = tpu.memref_slice %arg4[%dma_wait3A_141, %dma_wait3A_142] : memref<40000x128xf32, #tpu.memory_space<hbm>> -> memref<88x128xf32, #tpu.memory_space<hbm>>
      tpu.wait_dma2 semaphore(%arg16 : memref<!tpu.dma_semaphore, #tpu.memory_space<semaphore_mem>>) src(%dma_wait3A_143 : memref<88x128xf32, #tpu.memory_space<hbm>>) dst(%arg11 : memref<88x128xf32, #tpu.memory_space<vmem>>)
      %dma_wait3A_144 = arith.constant 0 : i32
      %dma_wait3A_145 = arith.constant 0 : i32
      %dma_wait3A_146 = tpu.memref_slice %arg5[%dma_wait3A_144, %dma_wait3A_145] : memref<40000x128xf32, #tpu.memory_space<hbm>> -> memref<88x128xf32, #tpu.memory_space<hbm>>
      %dma_wait3A_147 = arith.constant 0 : i32
      %dma_wait3A_148 = arith.constant 0 : i32
      %dma_wait3A_149 = tpu.memref_slice %arg5[%dma_wait3A_147, %dma_wait3A_148] : memref<40000x128xf32, #tpu.memory_space<hbm>> -> memref<88x128xf32, #tpu.memory_space<hbm>>
      tpu.wait_dma2 semaphore(%arg17 : memref<!tpu.dma_semaphore, #tpu.memory_space<semaphore_mem>>) src(%dma_wait3A_149 : memref<88x128xf32, #tpu.memory_space<hbm>>) dst(%arg12 : memref<88x128xf32, #tpu.memory_space<vmem>>)
      %convert_element_type3A = arith.extui %lt3A_137 : i1 to i32
      %cond3A = arith.constant 0 : i32
      %cond3A_150 = arith.cmpi ne, %convert_element_type3A, %cond3A : i32
      scf.if %cond3A_150 {
        %add3A_218 = arith.constant 2 : i32
        %add3A_219 = arith.addi %add3A_136, %add3A_218 : i32
        %dma_start3A_220 = arith.constant 0 : i32
        %dma_start3A_221 = arith.constant 0 : i32
        %dma_start3A_222 = tpu.memref_slice %arg2[%add3A_219, %dma_start3A_220, %dma_start3A_221] : memref<3776x2x88xi32, #tpu.memory_space<hbm>> -> memref<1x2x88xi32, #tpu.memory_space<hbm>>
        %dma_start3A_223 = tpu.memref_squeeze %dma_start3A_222 : memref<1x2x88xi32, #tpu.memory_space<hbm>> -> memref<2x88xi32, #tpu.memory_space<hbm>>
        %dma_start3A_224 = arith.constant 0 : i32
        %dma_start3A_225 = arith.constant 0 : i32
        %dma_start3A_226 = tpu.memref_slice %arg2[%add3A_219, %dma_start3A_224, %dma_start3A_225] : memref<3776x2x88xi32, #tpu.memory_space<hbm>> -> memref<1x2x88xi32, #tpu.memory_space<hbm>>
        %dma_start3A_227 = tpu.memref_squeeze %dma_start3A_226 : memref<1x2x88xi32, #tpu.memory_space<hbm>> -> memref<2x88xi32, #tpu.memory_space<hbm>>
        tpu.enqueue_dma source(%dma_start3A_227 : memref<2x88xi32, #tpu.memory_space<hbm>>) target(%arg7 : memref<2x88xi32, #tpu.memory_space<vmem>>) target_semaphore(%arg20 : memref<!tpu.dma_semaphore, #tpu.memory_space<semaphore_mem>>)
      } else {
      }
      %dma_wait3A_151 = arith.constant 0 : i32
      %dma_wait3A_152 = arith.constant 0 : i32
      %dma_wait3A_153 = arith.constant 0 : i32
      %dma_wait3A_154 = tpu.memref_slice %arg2[%dma_wait3A_151, %dma_wait3A_152, %dma_wait3A_153] : memref<3776x2x88xi32, #tpu.memory_space<hbm>> -> memref<1x2x88xi32, #tpu.memory_space<hbm>>
      %dma_wait3A_155 = tpu.memref_squeeze %dma_wait3A_154 : memref<1x2x88xi32, #tpu.memory_space<hbm>> -> memref<2x88xi32, #tpu.memory_space<hbm>>
      %dma_wait3A_156 = arith.constant 0 : i32
      %dma_wait3A_157 = arith.constant 0 : i32
      %dma_wait3A_158 = tpu.memref_slice %arg2[%dma_wait3A_151, %dma_wait3A_156, %dma_wait3A_157] : memref<3776x2x88xi32, #tpu.memory_space<hbm>> -> memref<1x2x88xi32, #tpu.memory_space<hbm>>
      %dma_wait3A_159 = tpu.memref_squeeze %dma_wait3A_158 : memref<1x2x88xi32, #tpu.memory_space<hbm>> -> memref<2x88xi32, #tpu.memory_space<hbm>>
      tpu.wait_dma2 semaphore(%arg21 : memref<!tpu.dma_semaphore, #tpu.memory_space<semaphore_mem>>) src(%dma_wait3A_159 : memref<2x88xi32, #tpu.memory_space<hbm>>) dst(%arg8 : memref<2x88xi32, #tpu.memory_space<vmem>>)
      %dma_start3A_160 = arith.constant 0 : i32
      %dma_start3A_161 = arith.constant 0 : i32
      %dma_start3A_162 = tpu.memref_slice %arg8[%dma_start3A_160, %dma_start3A_161] : memref<2x88xi32, #tpu.memory_space<vmem>> -> memref<1x88xi32, #tpu.memory_space<vmem>>
      %dma_start3A_163 = tpu.memref_squeeze %dma_start3A_162 : memref<1x88xi32, #tpu.memory_space<vmem>> -> memref<88xi32, #tpu.memory_space<vmem>>
      %dma_start3A_164 = arith.constant 0 : i32
      %dma_start3A_165 = arith.constant 0 : i32
      %dma_start3A_166 = tpu.memref_slice %arg4[%dma_start3A_164, %dma_start3A_165] : memref<40000x128xf32, #tpu.memory_space<hbm>> -> memref<40000x128xf32, #tpu.memory_space<hbm>>
      tpu.enqueue_indirect_dma source(%dma_start3A_166 : memref<40000x128xf32, #tpu.memory_space<hbm>>) target(%arg13 : memref<88x128xf32, #tpu.memory_space<vmem>>) offsets(%dma_start3A_163 : memref<88xi32, #tpu.memory_space<vmem>>) semaphore(%arg18 : memref<!tpu.dma_semaphore, #tpu.memory_space<semaphore_mem>>)
      %dma_start3A_167 = arith.constant 1 : i32
      %dma_start3A_168 = arith.constant 0 : i32
      %dma_start3A_169 = tpu.memref_slice %arg8[%dma_start3A_167, %dma_start3A_168] : memref<2x88xi32, #tpu.memory_space<vmem>> -> memref<1x88xi32, #tpu.memory_space<vmem>>
      %dma_start3A_170 = tpu.memref_squeeze %dma_start3A_169 : memref<1x88xi32, #tpu.memory_space<vmem>> -> memref<88xi32, #tpu.memory_space<vmem>>
      %dma_start3A_171 = arith.constant 0 : i32
      %dma_start3A_172 = arith.constant 0 : i32
      %dma_start3A_173 = tpu.memref_slice %arg5[%dma_start3A_171, %dma_start3A_172] : memref<40000x128xf32, #tpu.memory_space<hbm>> -> memref<40000x128xf32, #tpu.memory_space<hbm>>
      tpu.enqueue_indirect_dma source(%dma_start3A_173 : memref<40000x128xf32, #tpu.memory_space<hbm>>) target(%arg14 : memref<88x128xf32, #tpu.memory_space<vmem>>) offsets(%dma_start3A_170 : memref<88xi32, #tpu.memory_space<vmem>>) semaphore(%arg19 : memref<!tpu.dma_semaphore, #tpu.memory_space<semaphore_mem>>)
      %scan3A_174 = arith.constant 0 : i32
      %scan3A_175 = arith.constant 0 : i32
      %scan3A_176 = arith.constant 88 : i32
      %scan3A_177 = arith.addi %scan3A_175, %scan3A_176 : i32
      %scan3A_178 = arith.constant 1 : i32
      scf.for %scan3A_218 = %scan3A_175 to %scan3A_177 step %scan3A_178  : i32 {
        %get3A = arith.index_cast %scan3A_218 : i32 to index
        %get3A_219 = arith.constant 0 : index
        %get3A_220 = tpu.vector_load %arg11[%get3A, %get3A_219] {strides = array<i32>} : memref<88x128xf32, #tpu.memory_space<vmem>>, vector<1x16xf32>,
        %get3A_221 = vector.shape_cast %get3A_220 : vector<1x16xf32> to vector<16xf32>
        %get3A_222 = arith.index_cast %scan3A_218 : i32 to index
        %get3A_223 = arith.constant 0 : index
        %get3A_224 = tpu.vector_load %arg12[%get3A_222, %get3A_223] {strides = array<i32>} : memref<88x128xf32, #tpu.memory_space<vmem>>, vector<1x16xf32>,
        %get3A_225 = vector.shape_cast %get3A_224 : vector<1x16xf32> to vector<16xf32>
        %add3A_226 = arith.addf %get3A_221, %get3A_225 : vector<16xf32>
        %max3A = arith.constant 0.000000e+00 : f32
        %max3A_227 = vector.broadcast %max3A : f32 to vector<16xf32>
        %max3A_228 = arith.maximumf %add3A_226, %max3A_227 : vector<16xf32>
        %swap3A = arith.index_cast %scan3A_218 : i32 to index
        %swap3A_229 = arith.constant 0 : index
        %swap3A_230 = tpu.vector_load %arg11[%swap3A, %swap3A_229] {strides = array<i32>} : memref<88x128xf32, #tpu.memory_space<vmem>>, vector<1x16xf32>,
        %swap3A_231 = vector.shape_cast %swap3A_230 : vector<1x16xf32> to vector<16xf32>
        %swap3A_232 = vector.shape_cast %max3A_228 : vector<16xf32> to vector<1x16xf32>
        tpu.vector_store %arg11[%swap3A, %swap3A_229], %swap3A_232 {strides = array<i32>} : memref<88x128xf32, #tpu.memory_space<vmem>>, vector<1x16xf32>,
        %get3A_233 = arith.index_cast %scan3A_218 : i32 to index
        %get3A_234 = arith.constant 16 : index
        %get3A_235 = tpu.vector_load %arg11[%get3A_233, %get3A_234] {strides = array<i32>} : memref<88x128xf32, #tpu.memory_space<vmem>>, vector<1x16xf32>,
        %get3A_236 = vector.shape_cast %get3A_235 : vector<1x16xf32> to vector<16xf32>
        %get3A_237 = arith.index_cast %scan3A_218 : i32 to index
        %get3A_238 = arith.constant 16 : index
        %get3A_239 = tpu.vector_load %arg12[%get3A_237, %get3A_238] {strides = array<i32>} : memref<88x128xf32, #tpu.memory_space<vmem>>, vector<1x16xf32>,
        %get3A_240 = vector.shape_cast %get3A_239 : vector<1x16xf32> to vector<16xf32>
        %add3A_241 = arith.addf %get3A_236, %get3A_240 : vector<16xf32>
        %max3A_242 = arith.constant 0.000000e+00 : f32
        %max3A_243 = vector.broadcast %max3A_242 : f32 to vector<16xf32>
        %max3A_244 = arith.maximumf %add3A_241, %max3A_243 : vector<16xf32>
        %swap3A_245 = arith.index_cast %scan3A_218 : i32 to index
        %swap3A_246 = arith.constant 16 : index
        %swap3A_247 = tpu.vector_load %arg11[%swap3A_245, %swap3A_246] {strides = array<i32>} : memref<88x128xf32, #tpu.memory_space<vmem>>, vector<1x16xf32>,
        %swap3A_248 = vector.shape_cast %swap3A_247 : vector<1x16xf32> to vector<16xf32>
        %swap3A_249 = vector.shape_cast %max3A_244 : vector<16xf32> to vector<1x16xf32>
        tpu.vector_store %arg11[%swap3A_245, %swap3A_246], %swap3A_249 {strides = array<i32>} : memref<88x128xf32, #tpu.memory_space<vmem>>, vector<1x16xf32>,
        %get3A_250 = arith.index_cast %scan3A_218 : i32 to index
        %get3A_251 = arith.constant 32 : index
        %get3A_252 = tpu.vector_load %arg11[%get3A_250, %get3A_251] {strides = array<i32>} : memref<88x128xf32, #tpu.memory_space<vmem>>, vector<1x16xf32>,
        %get3A_253 = vector.shape_cast %get3A_252 : vector<1x16xf32> to vector<16xf32>
        %get3A_254 = arith.index_cast %scan3A_218 : i32 to index
        %get3A_255 = arith.constant 32 : index
        %get3A_256 = tpu.vector_load %arg12[%get3A_254, %get3A_255] {strides = array<i32>} : memref<88x128xf32, #tpu.memory_space<vmem>>, vector<1x16xf32>,
        %get3A_257 = vector.shape_cast %get3A_256 : vector<1x16xf32> to vector<16xf32>
        %add3A_258 = arith.addf %get3A_253, %get3A_257 : vector<16xf32>
        %max3A_259 = arith.constant 0.000000e+00 : f32
        %max3A_260 = vector.broadcast %max3A_259 : f32 to vector<16xf32>
        %max3A_261 = arith.maximumf %add3A_258, %max3A_260 : vector<16xf32>
        %swap3A_262 = arith.index_cast %scan3A_218 : i32 to index
        %swap3A_263 = arith.constant 32 : index
        %swap3A_264 = tpu.vector_load %arg11[%swap3A_262, %swap3A_263] {strides = array<i32>} : memref<88x128xf32, #tpu.memory_space<vmem>>, vector<1x16xf32>,
        %swap3A_265 = vector.shape_cast %swap3A_264 : vector<1x16xf32> to vector<16xf32>
        %swap3A_266 = vector.shape_cast %max3A_261 : vector<16xf32> to vector<1x16xf32>
        tpu.vector_store %arg11[%swap3A_262, %swap3A_263], %swap3A_266 {strides = array<i32>} : memref<88x128xf32, #tpu.memory_space<vmem>>, vector<1x16xf32>,
        %get3A_267 = arith.index_cast %scan3A_218 : i32 to index
        %get3A_268 = arith.constant 48 : index
        %get3A_269 = tpu.vector_load %arg11[%get3A_267, %get3A_268] {strides = array<i32>} : memref<88x128xf32, #tpu.memory_space<vmem>>, vector<1x16xf32>,
        %get3A_270 = vector.shape_cast %get3A_269 : vector<1x16xf32> to vector<16xf32>
        %get3A_271 = arith.index_cast %scan3A_218 : i32 to index
        %get3A_272 = arith.constant 48 : index
        %get3A_273 = tpu.vector_load %arg12[%get3A_271, %get3A_272] {strides = array<i32>} : memref<88x128xf32, #tpu.memory_space<vmem>>, vector<1x16xf32>,
        %get3A_274 = vector.shape_cast %get3A_273 : vector<1x16xf32> to vector<16xf32>
        %add3A_275 = arith.addf %get3A_270, %get3A_274 : vector<16xf32>
        %max3A_276 = arith.constant 0.000000e+00 : f32
        %max3A_277 = vector.broadcast %max3A_276 : f32 to vector<16xf32>
        %max3A_278 = arith.maximumf %add3A_275, %max3A_277 : vector<16xf32>
        %swap3A_279 = arith.index_cast %scan3A_218 : i32 to index
        %swap3A_280 = arith.constant 48 : index
        %swap3A_281 = tpu.vector_load %arg11[%swap3A_279, %swap3A_280] {strides = array<i32>} : memref<88x128xf32, #tpu.memory_space<vmem>>, vector<1x16xf32>,
        %swap3A_282 = vector.shape_cast %swap3A_281 : vector<1x16xf32> to vector<16xf32>
        %swap3A_283 = vector.shape_cast %max3A_278 : vector<16xf32> to vector<1x16xf32>
        tpu.vector_store %arg11[%swap3A_279, %swap3A_280], %swap3A_283 {strides = array<i32>} : memref<88x128xf32, #tpu.memory_space<vmem>>, vector<1x16xf32>,
        %get3A_284 = arith.index_cast %scan3A_218 : i32 to index
        %get3A_285 = arith.constant 64 : index
        %get3A_286 = tpu.vector_load %arg11[%get3A_284, %get3A_285] {strides = array<i32>} : memref<88x128xf32, #tpu.memory_space<vmem>>, vector<1x16xf32>,
        %get3A_287 = vector.shape_cast %get3A_286 : vector<1x16xf32> to vector<16xf32>
        %get3A_288 = arith.index_cast %scan3A_218 : i32 to index
        %get3A_289 = arith.constant 64 : index
        %get3A_290 = tpu.vector_load %arg12[%get3A_288, %get3A_289] {strides = array<i32>} : memref<88x128xf32, #tpu.memory_space<vmem>>, vector<1x16xf32>,
        %get3A_291 = vector.shape_cast %get3A_290 : vector<1x16xf32> to vector<16xf32>
        %add3A_292 = arith.addf %get3A_287, %get3A_291 : vector<16xf32>
        %max3A_293 = arith.constant 0.000000e+00 : f32
        %max3A_294 = vector.broadcast %max3A_293 : f32 to vector<16xf32>
        %max3A_295 = arith.maximumf %add3A_292, %max3A_294 : vector<16xf32>
        %swap3A_296 = arith.index_cast %scan3A_218 : i32 to index
        %swap3A_297 = arith.constant 64 : index
        %swap3A_298 = tpu.vector_load %arg11[%swap3A_296, %swap3A_297] {strides = array<i32>} : memref<88x128xf32, #tpu.memory_space<vmem>>, vector<1x16xf32>,
        %swap3A_299 = vector.shape_cast %swap3A_298 : vector<1x16xf32> to vector<16xf32>
        %swap3A_300 = vector.shape_cast %max3A_295 : vector<16xf32> to vector<1x16xf32>
        tpu.vector_store %arg11[%swap3A_296, %swap3A_297], %swap3A_300 {strides = array<i32>} : memref<88x128xf32, #tpu.memory_space<vmem>>, vector<1x16xf32>,
        %get3A_301 = arith.index_cast %scan3A_218 : i32 to index
        %get3A_302 = arith.constant 80 : index
        %get3A_303 = tpu.vector_load %arg11[%get3A_301, %get3A_302] {strides = array<i32>} : memref<88x128xf32, #tpu.memory_space<vmem>>, vector<1x16xf32>,
        %get3A_304 = vector.shape_cast %get3A_303 : vector<1x16xf32> to vector<16xf32>
        %get3A_305 = arith.index_cast %scan3A_218 : i32 to index
        %get3A_306 = arith.constant 80 : index
        %get3A_307 = tpu.vector_load %arg12[%get3A_305, %get3A_306] {strides = array<i32>} : memref<88x128xf32, #tpu.memory_space<vmem>>, vector<1x16xf32>,
        %get3A_308 = vector.shape_cast %get3A_307 : vector<1x16xf32> to vector<16xf32>
        %add3A_309 = arith.addf %get3A_304, %get3A_308 : vector<16xf32>
        %max3A_310 = arith.constant 0.000000e+00 : f32
        %max3A_311 = vector.broadcast %max3A_310 : f32 to vector<16xf32>
        %max3A_312 = arith.maximumf %add3A_309, %max3A_311 : vector<16xf32>
        %swap3A_313 = arith.index_cast %scan3A_218 : i32 to index
        %swap3A_314 = arith.constant 80 : index
        %swap3A_315 = tpu.vector_load %arg11[%swap3A_313, %swap3A_314] {strides = array<i32>} : memref<88x128xf32, #tpu.memory_space<vmem>>, vector<1x16xf32>,
        %swap3A_316 = vector.shape_cast %swap3A_315 : vector<1x16xf32> to vector<16xf32>
        %swap3A_317 = vector.shape_cast %max3A_312 : vector<16xf32> to vector<1x16xf32>
        tpu.vector_store %arg11[%swap3A_313, %swap3A_314], %swap3A_317 {strides = array<i32>} : memref<88x128xf32, #tpu.memory_space<vmem>>, vector<1x16xf32>,
        %get3A_318 = arith.index_cast %scan3A_218 : i32 to index
        %get3A_319 = arith.constant 96 : index
        %get3A_320 = tpu.vector_load %arg11[%get3A_318, %get3A_319] {strides = array<i32>} : memref<88x128xf32, #tpu.memory_space<vmem>>, vector<1x16xf32>,
        %get3A_321 = vector.shape_cast %get3A_320 : vector<1x16xf32> to vector<16xf32>
        %get3A_322 = arith.index_cast %scan3A_218 : i32 to index
        %get3A_323 = arith.constant 96 : index
        %get3A_324 = tpu.vector_load %arg12[%get3A_322, %get3A_323] {strides = array<i32>} : memref<88x128xf32, #tpu.memory_space<vmem>>, vector<1x16xf32>,
        %get3A_325 = vector.shape_cast %get3A_324 : vector<1x16xf32> to vector<16xf32>
        %add3A_326 = arith.addf %get3A_321, %get3A_325 : vector<16xf32>
        %max3A_327 = arith.constant 0.000000e+00 : f32
        %max3A_328 = vector.broadcast %max3A_327 : f32 to vector<16xf32>
        %max3A_329 = arith.maximumf %add3A_326, %max3A_328 : vector<16xf32>
        %swap3A_330 = arith.index_cast %scan3A_218 : i32 to index
        %swap3A_331 = arith.constant 96 : index
        %swap3A_332 = tpu.vector_load %arg11[%swap3A_330, %swap3A_331] {strides = array<i32>} : memref<88x128xf32, #tpu.memory_space<vmem>>, vector<1x16xf32>,
        %swap3A_333 = vector.shape_cast %swap3A_332 : vector<1x16xf32> to vector<16xf32>
        %swap3A_334 = vector.shape_cast %max3A_329 : vector<16xf32> to vector<1x16xf32>
        tpu.vector_store %arg11[%swap3A_330, %swap3A_331], %swap3A_334 {strides = array<i32>} : memref<88x128xf32, #tpu.memory_space<vmem>>, vector<1x16xf32>,
        %get3A_335 = arith.index_cast %scan3A_218 : i32 to index
        %get3A_336 = arith.constant 112 : index
        %get3A_337 = tpu.vector_load %arg11[%get3A_335, %get3A_336] {strides = array<i32>} : memref<88x128xf32, #tpu.memory_space<vmem>>, vector<1x16xf32>,
        %get3A_338 = vector.shape_cast %get3A_337 : vector<1x16xf32> to vector<16xf32>
        %get3A_339 = arith.index_cast %scan3A_218 : i32 to index
        %get3A_340 = arith.constant 112 : index
        %get3A_341 = tpu.vector_load %arg12[%get3A_339, %get3A_340] {strides = array<i32>} : memref<88x128xf32, #tpu.memory_space<vmem>>, vector<1x16xf32>,
        %get3A_342 = vector.shape_cast %get3A_341 : vector<1x16xf32> to vector<16xf32>
        %add3A_343 = arith.addf %get3A_338, %get3A_342 : vector<16xf32>
        %max3A_344 = arith.constant 0.000000e+00 : f32
        %max3A_345 = vector.broadcast %max3A_344 : f32 to vector<16xf32>
        %max3A_346 = arith.maximumf %add3A_343, %max3A_345 : vector<16xf32>
        %swap3A_347 = arith.index_cast %scan3A_218 : i32 to index
        %swap3A_348 = arith.constant 112 : index
        %swap3A_349 = tpu.vector_load %arg11[%swap3A_347, %swap3A_348] {strides = array<i32>} : memref<88x128xf32, #tpu.memory_space<vmem>>, vector<1x16xf32>,
        %swap3A_350 = vector.shape_cast %swap3A_349 : vector<1x16xf32> to vector<16xf32>
        %swap3A_351 = vector.shape_cast %max3A_346 : vector<16xf32> to vector<1x16xf32>
        tpu.vector_store %arg11[%swap3A_347, %swap3A_348], %swap3A_351 {strides = array<i32>} : memref<88x128xf32, #tpu.memory_space<vmem>>, vector<1x16xf32>,
      }
      %scan3A_179 = arith.constant 88 : i32
      %dma_wait3A_180 = arith.constant 0 : i32
      %dma_wait3A_181 = arith.constant 0 : i32
      %dma_wait3A_182 = tpu.memref_slice %arg3[%dma_wait3A_180, %dma_wait3A_181] : memref<3776x88xi32, #tpu.memory_space<hbm>> -> memref<1x88xi32, #tpu.memory_space<hbm>>
      %dma_wait3A_183 = tpu.memref_squeeze %dma_wait3A_182 : memref<1x88xi32, #tpu.memory_space<hbm>> -> memref<88xi32, #tpu.memory_space<hbm>>
      %dma_wait3A_184 = arith.constant 0 : i32
      %dma_wait3A_185 = tpu.memref_slice %arg3[%dma_wait3A_180, %dma_wait3A_184] : memref<3776x88xi32, #tpu.memory_space<hbm>> -> memref<1x88xi32, #tpu.memory_space<hbm>>
      %dma_wait3A_186 = tpu.memref_squeeze %dma_wait3A_185 : memref<1x88xi32, #tpu.memory_space<hbm>> -> memref<88xi32, #tpu.memory_space<hbm>>
      tpu.wait_dma2 semaphore(%arg22 : memref<!tpu.dma_semaphore, #tpu.memory_space<semaphore_mem>>) src(%dma_wait3A_186 : memref<88xi32, #tpu.memory_space<hbm>>) dst(%arg9 : memref<88xi32, #tpu.memory_space<vmem>>)
      "tpu.region"() ({
        %run_scoped3A = tpu.sem_alloc : memref<!tpu.dma_semaphore, #tpu.memory_space<semaphore_mem>>
        %dma_start3A_218 = arith.constant 0 : i32
        %dma_start3A_219 = arith.constant 0 : i32
        %dma_start3A_220 = tpu.memref_slice %arg15[%dma_start3A_218, %dma_start3A_219] : memref<10240x128xf32, #tpu.memory_space<vmem_shared>> -> memref<10240x128xf32, #tpu.memory_space<vmem_shared>>
        tpu.enqueue_indirect_dma source(%arg11 : memref<88x128xf32, #tpu.memory_space<vmem>>) target(%dma_start3A_220 : memref<10240x128xf32, #tpu.memory_space<vmem_shared>>) offsets(%arg9 : memref<88xi32, #tpu.memory_space<vmem>>) semaphore(%run_scoped3A : memref<!tpu.dma_semaphore, #tpu.memory_space<semaphore_mem>>) {add = true}
        %dma_wait3A_221 = arith.constant 0 : i32
        %dma_wait3A_222 = arith.constant 0 : i32
        %dma_wait3A_223 = tpu.memref_slice %arg15[%dma_wait3A_221, %dma_wait3A_222] : memref<10240x128xf32, #tpu.memory_space<vmem_shared>> -> memref<10240x128xf32, #tpu.memory_space<vmem_shared>>
        tpu.wait_indirect_dma semaphore(%run_scoped3A : memref<!tpu.dma_semaphore, #tpu.memory_space<semaphore_mem>>) src(%arg11 : memref<88x128xf32, #tpu.memory_space<vmem>>) dst(%dma_wait3A_223 : memref<10240x128xf32, #tpu.memory_space<vmem_shared>>)
        tpu.yield
      }) : () -> ()
      %convert_element_type3A_187 = arith.extui %lt3A_137 : i1 to i32
      %cond3A_188 = arith.constant 0 : i32
      %cond3A_189 = arith.cmpi ne, %convert_element_type3A_187, %cond3A_188 : i32
      scf.if %cond3A_189 {
        %add3A_218 = arith.constant 2 : i32
        %add3A_219 = arith.addi %add3A_136, %add3A_218 : i32
        %dma_start3A_220 = arith.constant 0 : i32
        %dma_start3A_221 = tpu.memref_slice %arg3[%add3A_219, %dma_start3A_220] : memref<3776x88xi32, #tpu.memory_space<hbm>> -> memref<1x88xi32, #tpu.memory_space<hbm>>
        %dma_start3A_222 = tpu.memref_squeeze %dma_start3A_221 : memref<1x88xi32, #tpu.memory_space<hbm>> -> memref<88xi32, #tpu.memory_space<hbm>>
        %dma_start3A_223 = arith.constant 0 : i32
        %dma_start3A_224 = tpu.memref_slice %arg3[%add3A_219, %dma_start3A_223] : memref<3776x88xi32, #tpu.memory_space<hbm>> -> memref<1x88xi32, #tpu.memory_space<hbm>>
        %dma_start3A_225 = tpu.memref_squeeze %dma_start3A_224 : memref<1x88xi32, #tpu.memory_space<hbm>> -> memref<88xi32, #tpu.memory_space<hbm>>
        tpu.enqueue_dma source(%dma_start3A_225 : memref<88xi32, #tpu.memory_space<hbm>>) target(%arg9 : memref<88xi32, #tpu.memory_space<vmem>>) target_semaphore(%arg22 : memref<!tpu.dma_semaphore, #tpu.memory_space<semaphore_mem>>)
        %dma_wait3A_226 = arith.constant 0 : i32
        %dma_wait3A_227 = arith.constant 0 : i32
        %dma_wait3A_228 = arith.constant 0 : i32
        %dma_wait3A_229 = tpu.memref_slice %arg2[%dma_wait3A_226, %dma_wait3A_227, %dma_wait3A_228] : memref<3776x2x88xi32, #tpu.memory_space<hbm>> -> memref<1x2x88xi32, #tpu.memory_space<hbm>>
        %dma_wait3A_230 = tpu.memref_squeeze %dma_wait3A_229 : memref<1x2x88xi32, #tpu.memory_space<hbm>> -> memref<2x88xi32, #tpu.memory_space<hbm>>
        %dma_wait3A_231 = arith.constant 0 : i32
        %dma_wait3A_232 = arith.constant 0 : i32
        %dma_wait3A_233 = tpu.memref_slice %arg2[%dma_wait3A_226, %dma_wait3A_231, %dma_wait3A_232] : memref<3776x2x88xi32, #tpu.memory_space<hbm>> -> memref<1x2x88xi32, #tpu.memory_space<hbm>>
        %dma_wait3A_234 = tpu.memref_squeeze %dma_wait3A_233 : memref<1x2x88xi32, #tpu.memory_space<hbm>> -> memref<2x88xi32, #tpu.memory_space<hbm>>
        tpu.wait_dma2 semaphore(%arg20 : memref<!tpu.dma_semaphore, #tpu.memory_space<semaphore_mem>>) src(%dma_wait3A_234 : memref<2x88xi32, #tpu.memory_space<hbm>>) dst(%arg7 : memref<2x88xi32, #tpu.memory_space<vmem>>)
        %dma_start3A_235 = arith.constant 0 : i32
        %dma_start3A_236 = arith.constant 0 : i32
        %dma_start3A_237 = tpu.memref_slice %arg7[%dma_start3A_235, %dma_start3A_236] : memref<2x88xi32, #tpu.memory_space<vmem>> -> memref<1x88xi32, #tpu.memory_space<vmem>>
        %dma_start3A_238 = tpu.memref_squeeze %dma_start3A_237 : memref<1x88xi32, #tpu.memory_space<vmem>> -> memref<88xi32, #tpu.memory_space<vmem>>
        %dma_start3A_239 = arith.constant 0 : i32
        %dma_start3A_240 = arith.constant 0 : i32
        %dma_start3A_241 = tpu.memref_slice %arg4[%dma_start3A_239, %dma_start3A_240] : memref<40000x128xf32, #tpu.memory_space<hbm>> -> memref<40000x128xf32, #tpu.memory_space<hbm>>
        tpu.enqueue_indirect_dma source(%dma_start3A_241 : memref<40000x128xf32, #tpu.memory_space<hbm>>) target(%arg11 : memref<88x128xf32, #tpu.memory_space<vmem>>) offsets(%dma_start3A_238 : memref<88xi32, #tpu.memory_space<vmem>>) semaphore(%arg16 : memref<!tpu.dma_semaphore, #tpu.memory_space<semaphore_mem>>)
        %dma_start3A_242 = arith.constant 1 : i32
        %dma_start3A_243 = arith.constant 0 : i32
        %dma_start3A_244 = tpu.memref_slice %arg7[%dma_start3A_242, %dma_start3A_243] : memref<2x88xi32, #tpu.memory_space<vmem>> -> memref<1x88xi32, #tpu.memory_space<vmem>>
        %dma_start3A_245 = tpu.memref_squeeze %dma_start3A_244 : memref<1x88xi32, #tpu.memory_space<vmem>> -> memref<88xi32, #tpu.memory_space<vmem>>
        %dma_start3A_246 = arith.constant 0 : i32
        %dma_start3A_247 = arith.constant 0 : i32
        %dma_start3A_248 = tpu.memref_slice %arg5[%dma_start3A_246, %dma_start3A_247] : memref<40000x128xf32, #tpu.memory_space<hbm>> -> memref<40000x128xf32, #tpu.memory_space<hbm>>
        tpu.enqueue_indirect_dma source(%dma_start3A_248 : memref<40000x128xf32, #tpu.memory_space<hbm>>) target(%arg12 : memref<88x128xf32, #tpu.memory_space<vmem>>) offsets(%dma_start3A_245 : memref<88xi32, #tpu.memory_space<vmem>>) semaphore(%arg17 : memref<!tpu.dma_semaphore, #tpu.memory_space<semaphore_mem>>)
      } else {
      }
      %dma_wait3A_190 = arith.constant 0 : i32
      %dma_wait3A_191 = arith.constant 0 : i32
      %dma_wait3A_192 = tpu.memref_slice %arg4[%dma_wait3A_190, %dma_wait3A_191] : memref<40000x128xf32, #tpu.memory_space<hbm>> -> memref<88x128xf32, #tpu.memory_space<hbm>>
      %dma_wait3A_193 = arith.constant 0 : i32
      %dma_wait3A_194 = arith.constant 0 : i32
      %dma_wait3A_195 = tpu.memref_slice %arg4[%dma_wait3A_193, %dma_wait3A_194] : memref<40000x128xf32, #tpu.memory_space<hbm>> -> memref<88x128xf32, #tpu.memory_space<hbm>>
      tpu.wait_dma2 semaphore(%arg18 : memref<!tpu.dma_semaphore, #tpu.memory_space<semaphore_mem>>) src(%dma_wait3A_195 : memref<88x128xf32, #tpu.memory_space<hbm>>) dst(%arg13 : memref<88x128xf32, #tpu.memory_space<vmem>>)
      %dma_wait3A_196 = arith.constant 0 : i32
      %dma_wait3A_197 = arith.constant 0 : i32
      %dma_wait3A_198 = tpu.memref_slice %arg5[%dma_wait3A_196, %dma_wait3A_197] : memref<40000x128xf32, #tpu.memory_space<hbm>> -> memref<88x128xf32, #tpu.memory_space<hbm>>
      %dma_wait3A_199 = arith.constant 0 : i32
      %dma_wait3A_200 = arith.constant 0 : i32
      %dma_wait3A_201 = tpu.memref_slice %arg5[%dma_wait3A_199, %dma_wait3A_200] : memref<40000x128xf32, #tpu.memory_space<hbm>> -> memref<88x128xf32, #tpu.memory_space<hbm>>
      tpu.wait_dma2 semaphore(%arg19 : memref<!tpu.dma_semaphore, #tpu.memory_space<semaphore_mem>>) src(%dma_wait3A_201 : memref<88x128xf32, #tpu.memory_space<hbm>>) dst(%arg14 : memref<88x128xf32, #tpu.memory_space<vmem>>)
      %scan3A_202 = arith.constant 0 : i32
      %scan3A_203 = arith.constant 0 : i32
      %scan3A_204 = arith.constant 88 : i32
      %scan3A_205 = arith.addi %scan3A_203, %scan3A_204 : i32
      %scan3A_206 = arith.constant 1 : i32
      scf.for %scan3A_218 = %scan3A_203 to %scan3A_205 step %scan3A_206  : i32 {
        %get3A = arith.index_cast %scan3A_218 : i32 to index
        %get3A_219 = arith.constant 0 : index
        %get3A_220 = tpu.vector_load %arg13[%get3A, %get3A_219] {strides = array<i32>} : memref<88x128xf32, #tpu.memory_space<vmem>>, vector<1x16xf32>,
        %get3A_221 = vector.shape_cast %get3A_220 : vector<1x16xf32> to vector<16xf32>
        %get3A_222 = arith.index_cast %scan3A_218 : i32 to index
        %get3A_223 = arith.constant 0 : index
        %get3A_224 = tpu.vector_load %arg14[%get3A_222, %get3A_223] {strides = array<i32>} : memref<88x128xf32, #tpu.memory_space<vmem>>, vector<1x16xf32>,
        %get3A_225 = vector.shape_cast %get3A_224 : vector<1x16xf32> to vector<16xf32>
        %add3A_226 = arith.addf %get3A_221, %get3A_225 : vector<16xf32>
        %max3A = arith.constant 0.000000e+00 : f32
        %max3A_227 = vector.broadcast %max3A : f32 to vector<16xf32>
        %max3A_228 = arith.maximumf %add3A_226, %max3A_227 : vector<16xf32>
        %swap3A = arith.index_cast %scan3A_218 : i32 to index
        %swap3A_229 = arith.constant 0 : index
        %swap3A_230 = tpu.vector_load %arg13[%swap3A, %swap3A_229] {strides = array<i32>} : memref<88x128xf32, #tpu.memory_space<vmem>>, vector<1x16xf32>,
        %swap3A_231 = vector.shape_cast %swap3A_230 : vector<1x16xf32> to vector<16xf32>
        %swap3A_232 = vector.shape_cast %max3A_228 : vector<16xf32> to vector<1x16xf32>
        tpu.vector_store %arg13[%swap3A, %swap3A_229], %swap3A_232 {strides = array<i32>} : memref<88x128xf32, #tpu.memory_space<vmem>>, vector<1x16xf32>,
        %get3A_233 = arith.index_cast %scan3A_218 : i32 to index
        %get3A_234 = arith.constant 16 : index
        %get3A_235 = tpu.vector_load %arg13[%get3A_233, %get3A_234] {strides = array<i32>} : memref<88x128xf32, #tpu.memory_space<vmem>>, vector<1x16xf32>,
        %get3A_236 = vector.shape_cast %get3A_235 : vector<1x16xf32> to vector<16xf32>
        %get3A_237 = arith.index_cast %scan3A_218 : i32 to index
        %get3A_238 = arith.constant 16 : index
        %get3A_239 = tpu.vector_load %arg14[%get3A_237, %get3A_238] {strides = array<i32>} : memref<88x128xf32, #tpu.memory_space<vmem>>, vector<1x16xf32>,
        %get3A_240 = vector.shape_cast %get3A_239 : vector<1x16xf32> to vector<16xf32>
        %add3A_241 = arith.addf %get3A_236, %get3A_240 : vector<16xf32>
        %max3A_242 = arith.constant 0.000000e+00 : f32
        %max3A_243 = vector.broadcast %max3A_242 : f32 to vector<16xf32>
        %max3A_244 = arith.maximumf %add3A_241, %max3A_243 : vector<16xf32>
        %swap3A_245 = arith.index_cast %scan3A_218 : i32 to index
        %swap3A_246 = arith.constant 16 : index
        %swap3A_247 = tpu.vector_load %arg13[%swap3A_245, %swap3A_246] {strides = array<i32>} : memref<88x128xf32, #tpu.memory_space<vmem>>, vector<1x16xf32>,
        %swap3A_248 = vector.shape_cast %swap3A_247 : vector<1x16xf32> to vector<16xf32>
        %swap3A_249 = vector.shape_cast %max3A_244 : vector<16xf32> to vector<1x16xf32>
        tpu.vector_store %arg13[%swap3A_245, %swap3A_246], %swap3A_249 {strides = array<i32>} : memref<88x128xf32, #tpu.memory_space<vmem>>, vector<1x16xf32>,
        %get3A_250 = arith.index_cast %scan3A_218 : i32 to index
        %get3A_251 = arith.constant 32 : index
        %get3A_252 = tpu.vector_load %arg13[%get3A_250, %get3A_251] {strides = array<i32>} : memref<88x128xf32, #tpu.memory_space<vmem>>, vector<1x16xf32>,
        %get3A_253 = vector.shape_cast %get3A_252 : vector<1x16xf32> to vector<16xf32>
        %get3A_254 = arith.index_cast %scan3A_218 : i32 to index
        %get3A_255 = arith.constant 32 : index
        %get3A_256 = tpu.vector_load %arg14[%get3A_254, %get3A_255] {strides = array<i32>} : memref<88x128xf32, #tpu.memory_space<vmem>>, vector<1x16xf32>,
        %get3A_257 = vector.shape_cast %get3A_256 : vector<1x16xf32> to vector<16xf32>
        %add3A_258 = arith.addf %get3A_253, %get3A_257 : vector<16xf32>
        %max3A_259 = arith.constant 0.000000e+00 : f32
        %max3A_260 = vector.broadcast %max3A_259 : f32 to vector<16xf32>
        %max3A_261 = arith.maximumf %add3A_258, %max3A_260 : vector<16xf32>
        %swap3A_262 = arith.index_cast %scan3A_218 : i32 to index
        %swap3A_263 = arith.constant 32 : index
        %swap3A_264 = tpu.vector_load %arg13[%swap3A_262, %swap3A_263] {strides = array<i32>} : memref<88x128xf32, #tpu.memory_space<vmem>>, vector<1x16xf32>,
        %swap3A_265 = vector.shape_cast %swap3A_264 : vector<1x16xf32> to vector<16xf32>
        %swap3A_266 = vector.shape_cast %max3A_261 : vector<16xf32> to vector<1x16xf32>
        tpu.vector_store %arg13[%swap3A_262, %swap3A_263], %swap3A_266 {strides = array<i32>} : memref<88x128xf32, #tpu.memory_space<vmem>>, vector<1x16xf32>,
        %get3A_267 = arith.index_cast %scan3A_218 : i32 to index
        %get3A_268 = arith.constant 48 : index
        %get3A_269 = tpu.vector_load %arg13[%get3A_267, %get3A_268] {strides = array<i32>} : memref<88x128xf32, #tpu.memory_space<vmem>>, vector<1x16xf32>,
        %get3A_270 = vector.shape_cast %get3A_269 : vector<1x16xf32> to vector<16xf32>
        %get3A_271 = arith.index_cast %scan3A_218 : i32 to index
        %get3A_272 = arith.constant 48 : index
        %get3A_273 = tpu.vector_load %arg14[%get3A_271, %get3A_272] {strides = array<i32>} : memref<88x128xf32, #tpu.memory_space<vmem>>, vector<1x16xf32>,
        %get3A_274 = vector.shape_cast %get3A_273 : vector<1x16xf32> to vector<16xf32>
        %add3A_275 = arith.addf %get3A_270, %get3A_274 : vector<16xf32>
        %max3A_276 = arith.constant 0.000000e+00 : f32
        %max3A_277 = vector.broadcast %max3A_276 : f32 to vector<16xf32>
        %max3A_278 = arith.maximumf %add3A_275, %max3A_277 : vector<16xf32>
        %swap3A_279 = arith.index_cast %scan3A_218 : i32 to index
        %swap3A_280 = arith.constant 48 : index
        %swap3A_281 = tpu.vector_load %arg13[%swap3A_279, %swap3A_280] {strides = array<i32>} : memref<88x128xf32, #tpu.memory_space<vmem>>, vector<1x16xf32>,
        %swap3A_282 = vector.shape_cast %swap3A_281 : vector<1x16xf32> to vector<16xf32>
        %swap3A_283 = vector.shape_cast %max3A_278 : vector<16xf32> to vector<1x16xf32>
        tpu.vector_store %arg13[%swap3A_279, %swap3A_280], %swap3A_283 {strides = array<i32>} : memref<88x128xf32, #tpu.memory_space<vmem>>, vector<1x16xf32>,
        %get3A_284 = arith.index_cast %scan3A_218 : i32 to index
        %get3A_285 = arith.constant 64 : index
        %get3A_286 = tpu.vector_load %arg13[%get3A_284, %get3A_285] {strides = array<i32>} : memref<88x128xf32, #tpu.memory_space<vmem>>, vector<1x16xf32>,
        %get3A_287 = vector.shape_cast %get3A_286 : vector<1x16xf32> to vector<16xf32>
        %get3A_288 = arith.index_cast %scan3A_218 : i32 to index
        %get3A_289 = arith.constant 64 : index
        %get3A_290 = tpu.vector_load %arg14[%get3A_288, %get3A_289] {strides = array<i32>} : memref<88x128xf32, #tpu.memory_space<vmem>>, vector<1x16xf32>,
        %get3A_291 = vector.shape_cast %get3A_290 : vector<1x16xf32> to vector<16xf32>
        %add3A_292 = arith.addf %get3A_287, %get3A_291 : vector<16xf32>
        %max3A_293 = arith.constant 0.000000e+00 : f32
        %max3A_294 = vector.broadcast %max3A_293 : f32 to vector<16xf32>
        %max3A_295 = arith.maximumf %add3A_292, %max3A_294 : vector<16xf32>
        %swap3A_296 = arith.index_cast %scan3A_218 : i32 to index
        %swap3A_297 = arith.constant 64 : index
        %swap3A_298 = tpu.vector_load %arg13[%swap3A_296, %swap3A_297] {strides = array<i32>} : memref<88x128xf32, #tpu.memory_space<vmem>>, vector<1x16xf32>,
        %swap3A_299 = vector.shape_cast %swap3A_298 : vector<1x16xf32> to vector<16xf32>
        %swap3A_300 = vector.shape_cast %max3A_295 : vector<16xf32> to vector<1x16xf32>
        tpu.vector_store %arg13[%swap3A_296, %swap3A_297], %swap3A_300 {strides = array<i32>} : memref<88x128xf32, #tpu.memory_space<vmem>>, vector<1x16xf32>,
        %get3A_301 = arith.index_cast %scan3A_218 : i32 to index
        %get3A_302 = arith.constant 80 : index
        %get3A_303 = tpu.vector_load %arg13[%get3A_301, %get3A_302] {strides = array<i32>} : memref<88x128xf32, #tpu.memory_space<vmem>>, vector<1x16xf32>,
        %get3A_304 = vector.shape_cast %get3A_303 : vector<1x16xf32> to vector<16xf32>
        %get3A_305 = arith.index_cast %scan3A_218 : i32 to index
        %get3A_306 = arith.constant 80 : index
        %get3A_307 = tpu.vector_load %arg14[%get3A_305, %get3A_306] {strides = array<i32>} : memref<88x128xf32, #tpu.memory_space<vmem>>, vector<1x16xf32>,
        %get3A_308 = vector.shape_cast %get3A_307 : vector<1x16xf32> to vector<16xf32>
        %add3A_309 = arith.addf %get3A_304, %get3A_308 : vector<16xf32>
        %max3A_310 = arith.constant 0.000000e+00 : f32
        %max3A_311 = vector.broadcast %max3A_310 : f32 to vector<16xf32>
        %max3A_312 = arith.maximumf %add3A_309, %max3A_311 : vector<16xf32>
        %swap3A_313 = arith.index_cast %scan3A_218 : i32 to index
        %swap3A_314 = arith.constant 80 : index
        %swap3A_315 = tpu.vector_load %arg13[%swap3A_313, %swap3A_314] {strides = array<i32>} : memref<88x128xf32, #tpu.memory_space<vmem>>, vector<1x16xf32>,
        %swap3A_316 = vector.shape_cast %swap3A_315 : vector<1x16xf32> to vector<16xf32>
        %swap3A_317 = vector.shape_cast %max3A_312 : vector<16xf32> to vector<1x16xf32>
        tpu.vector_store %arg13[%swap3A_313, %swap3A_314], %swap3A_317 {strides = array<i32>} : memref<88x128xf32, #tpu.memory_space<vmem>>, vector<1x16xf32>,
        %get3A_318 = arith.index_cast %scan3A_218 : i32 to index
        %get3A_319 = arith.constant 96 : index
        %get3A_320 = tpu.vector_load %arg13[%get3A_318, %get3A_319] {strides = array<i32>} : memref<88x128xf32, #tpu.memory_space<vmem>>, vector<1x16xf32>,
        %get3A_321 = vector.shape_cast %get3A_320 : vector<1x16xf32> to vector<16xf32>
        %get3A_322 = arith.index_cast %scan3A_218 : i32 to index
        %get3A_323 = arith.constant 96 : index
        %get3A_324 = tpu.vector_load %arg14[%get3A_322, %get3A_323] {strides = array<i32>} : memref<88x128xf32, #tpu.memory_space<vmem>>, vector<1x16xf32>,
        %get3A_325 = vector.shape_cast %get3A_324 : vector<1x16xf32> to vector<16xf32>
        %add3A_326 = arith.addf %get3A_321, %get3A_325 : vector<16xf32>
        %max3A_327 = arith.constant 0.000000e+00 : f32
        %max3A_328 = vector.broadcast %max3A_327 : f32 to vector<16xf32>
        %max3A_329 = arith.maximumf %add3A_326, %max3A_328 : vector<16xf32>
        %swap3A_330 = arith.index_cast %scan3A_218 : i32 to index
        %swap3A_331 = arith.constant 96 : index
        %swap3A_332 = tpu.vector_load %arg13[%swap3A_330, %swap3A_331] {strides = array<i32>} : memref<88x128xf32, #tpu.memory_space<vmem>>, vector<1x16xf32>,
        %swap3A_333 = vector.shape_cast %swap3A_332 : vector<1x16xf32> to vector<16xf32>
        %swap3A_334 = vector.shape_cast %max3A_329 : vector<16xf32> to vector<1x16xf32>
        tpu.vector_store %arg13[%swap3A_330, %swap3A_331], %swap3A_334 {strides = array<i32>} : memref<88x128xf32, #tpu.memory_space<vmem>>, vector<1x16xf32>,
        %get3A_335 = arith.index_cast %scan3A_218 : i32 to index
        %get3A_336 = arith.constant 112 : index
        %get3A_337 = tpu.vector_load %arg13[%get3A_335, %get3A_336] {strides = array<i32>} : memref<88x128xf32, #tpu.memory_space<vmem>>, vector<1x16xf32>,
        %get3A_338 = vector.shape_cast %get3A_337 : vector<1x16xf32> to vector<16xf32>
        %get3A_339 = arith.index_cast %scan3A_218 : i32 to index
        %get3A_340 = arith.constant 112 : index
        %get3A_341 = tpu.vector_load %arg14[%get3A_339, %get3A_340] {strides = array<i32>} : memref<88x128xf32, #tpu.memory_space<vmem>>, vector<1x16xf32>,
        %get3A_342 = vector.shape_cast %get3A_341 : vector<1x16xf32> to vector<16xf32>
        %add3A_343 = arith.addf %get3A_338, %get3A_342 : vector<16xf32>
        %max3A_344 = arith.constant 0.000000e+00 : f32
        %max3A_345 = vector.broadcast %max3A_344 : f32 to vector<16xf32>
        %max3A_346 = arith.maximumf %add3A_343, %max3A_345 : vector<16xf32>
        %swap3A_347 = arith.index_cast %scan3A_218 : i32 to index
        %swap3A_348 = arith.constant 112 : index
        %swap3A_349 = tpu.vector_load %arg13[%swap3A_347, %swap3A_348] {strides = array<i32>} : memref<88x128xf32, #tpu.memory_space<vmem>>, vector<1x16xf32>,
        %swap3A_350 = vector.shape_cast %swap3A_349 : vector<1x16xf32> to vector<16xf32>
        %swap3A_351 = vector.shape_cast %max3A_346 : vector<16xf32> to vector<1x16xf32>
        tpu.vector_store %arg13[%swap3A_347, %swap3A_348], %swap3A_351 {strides = array<i32>} : memref<88x128xf32, #tpu.memory_space<vmem>>, vector<1x16xf32>,
      }
      %scan3A_207 = arith.constant 88 : i32
      %dma_wait3A_208 = arith.constant 0 : i32
      %dma_wait3A_209 = arith.constant 0 : i32
      %dma_wait3A_210 = tpu.memref_slice %arg3[%dma_wait3A_208, %dma_wait3A_209] : memref<3776x88xi32, #tpu.memory_space<hbm>> -> memref<1x88xi32, #tpu.memory_space<hbm>>
      %dma_wait3A_211 = tpu.memref_squeeze %dma_wait3A_210 : memref<1x88xi32, #tpu.memory_space<hbm>> -> memref<88xi32, #tpu.memory_space<hbm>>
      %dma_wait3A_212 = arith.constant 0 : i32
      %dma_wait3A_213 = tpu.memref_slice %arg3[%dma_wait3A_208, %dma_wait3A_212] : memref<3776x88xi32, #tpu.memory_space<hbm>> -> memref<1x88xi32, #tpu.memory_space<hbm>>
      %dma_wait3A_214 = tpu.memref_squeeze %dma_wait3A_213 : memref<1x88xi32, #tpu.memory_space<hbm>> -> memref<88xi32, #tpu.memory_space<hbm>>
      tpu.wait_dma2 semaphore(%arg23 : memref<!tpu.dma_semaphore, #tpu.memory_space<semaphore_mem>>) src(%dma_wait3A_214 : memref<88xi32, #tpu.memory_space<hbm>>) dst(%arg10 : memref<88xi32, #tpu.memory_space<vmem>>)
      "tpu.region"() ({
        %run_scoped3A = tpu.sem_alloc : memref<!tpu.dma_semaphore, #tpu.memory_space<semaphore_mem>>
        %dma_start3A_218 = arith.constant 0 : i32
        %dma_start3A_219 = arith.constant 0 : i32
        %dma_start3A_220 = tpu.memref_slice %arg15[%dma_start3A_218, %dma_start3A_219] : memref<10240x128xf32, #tpu.memory_space<vmem_shared>> -> memref<10240x128xf32, #tpu.memory_space<vmem_shared>>
        tpu.enqueue_indirect_dma source(%arg13 : memref<88x128xf32, #tpu.memory_space<vmem>>) target(%dma_start3A_220 : memref<10240x128xf32, #tpu.memory_space<vmem_shared>>) offsets(%arg10 : memref<88xi32, #tpu.memory_space<vmem>>) semaphore(%run_scoped3A : memref<!tpu.dma_semaphore, #tpu.memory_space<semaphore_mem>>) {add = true}
        %dma_wait3A_221 = arith.constant 0 : i32
        %dma_wait3A_222 = arith.constant 0 : i32
        %dma_wait3A_223 = tpu.memref_slice %arg15[%dma_wait3A_221, %dma_wait3A_222] : memref<10240x128xf32, #tpu.memory_space<vmem_shared>> -> memref<10240x128xf32, #tpu.memory_space<vmem_shared>>
        tpu.wait_indirect_dma semaphore(%run_scoped3A : memref<!tpu.dma_semaphore, #tpu.memory_space<semaphore_mem>>) src(%arg13 : memref<88x128xf32, #tpu.memory_space<vmem>>) dst(%dma_wait3A_223 : memref<10240x128xf32, #tpu.memory_space<vmem_shared>>)
        tpu.yield
      }) : () -> ()
      %convert_element_type3A_215 = arith.extui %lt3A_137 : i1 to i32
      %cond3A_216 = arith.constant 0 : i32
      %cond3A_217 = arith.cmpi ne, %convert_element_type3A_215, %cond3A_216 : i32
      scf.if %cond3A_217 {
        %add3A_218 = arith.constant 3 : i32
        %add3A_219 = arith.addi %add3A_136, %add3A_218 : i32
        %dma_start3A_220 = arith.constant 0 : i32
        %dma_start3A_221 = arith.constant 0 : i32
        %dma_start3A_222 = tpu.memref_slice %arg2[%add3A_219, %dma_start3A_220, %dma_start3A_221] : memref<3776x2x88xi32, #tpu.memory_space<hbm>> -> memref<1x2x88xi32, #tpu.memory_space<hbm>>
        %dma_start3A_223 = tpu.memref_squeeze %dma_start3A_222 : memref<1x2x88xi32, #tpu.memory_space<hbm>> -> memref<2x88xi32, #tpu.memory_space<hbm>>
        %dma_start3A_224 = arith.constant 0 : i32
        %dma_start3A_225 = arith.constant 0 : i32
        %dma_start3A_226 = tpu.memref_slice %arg2[%add3A_219, %dma_start3A_224, %dma_start3A_225] : memref<3776x2x88xi32, #tpu.memory_space<hbm>> -> memref<1x2x88xi32, #tpu.memory_space<hbm>>
        %dma_start3A_227 = tpu.memref_squeeze %dma_start3A_226 : memref<1x2x88xi32, #tpu.memory_space<hbm>> -> memref<2x88xi32, #tpu.memory_space<hbm>>
        tpu.enqueue_dma source(%dma_start3A_227 : memref<2x88xi32, #tpu.memory_space<hbm>>) target(%arg8 : memref<2x88xi32, #tpu.memory_space<vmem>>) target_semaphore(%arg21 : memref<!tpu.dma_semaphore, #tpu.memory_space<semaphore_mem>>)
        %add3A_228 = arith.constant 3 : i32
        %add3A_229 = arith.addi %add3A_136, %add3A_228 : i32
        %dma_start3A_230 = arith.constant 0 : i32
        %dma_start3A_231 = tpu.memref_slice %arg3[%add3A_229, %dma_start3A_230] : memref<3776x88xi32, #tpu.memory_space<hbm>> -> memref<1x88xi32, #tpu.memory_space<hbm>>
        %dma_start3A_232 = tpu.memref_squeeze %dma_start3A_231 : memref<1x88xi32, #tpu.memory_space<hbm>> -> memref<88xi32, #tpu.memory_space<hbm>>
        %dma_start3A_233 = arith.constant 0 : i32
        %dma_start3A_234 = tpu.memref_slice %arg3[%add3A_229, %dma_start3A_233] : memref<3776x88xi32, #tpu.memory_space<hbm>> -> memref<1x88xi32, #tpu.memory_space<hbm>>
        %dma_start3A_235 = tpu.memref_squeeze %dma_start3A_234 : memref<1x88xi32, #tpu.memory_space<hbm>> -> memref<88xi32, #tpu.memory_space<hbm>>
        tpu.enqueue_dma source(%dma_start3A_235 : memref<88xi32, #tpu.memory_space<hbm>>) target(%arg10 : memref<88xi32, #tpu.memory_space<vmem>>) target_semaphore(%arg23 : memref<!tpu.dma_semaphore, #tpu.memory_space<semaphore_mem>>)
      } else {
      }
    }
    %scan3A_99 = arith.constant 59 : i32
    %barrier3A_100 = arith.constant 0 : index
    tpu.barrier barrier_id(%barrier3A_100)
    %mul3A_101 = arith.constant 640 : i32
    %mul3A_102 = arith.muli %arg1, %mul3A_101 : i32
    %add3A_103 = arith.constant 0 : i32
    %add3A_104 = arith.addi %mul3A_102, %add3A_103 : i32
    "tpu.region"() ({
      %run_scoped3A = tpu.sem_alloc : memref<!tpu.dma_semaphore, #tpu.memory_space<semaphore_mem>>
      %dma_start3A_133 = arith.constant 0 : i32
      %dma_start3A_134 = arith.constant 0 : i32
      %dma_start3A_135 = tpu.memref_slice %arg11[%dma_start3A_133, %dma_start3A_134] : memref<88x128xf32, #tpu.memory_space<vmem>> -> memref<88x128xf32, #tpu.memory_space<vmem>>
      %dma_start3A_136 = arith.constant 0 : i32
      %dma_start3A_137 = tpu.memref_slice %arg15[%add3A_104, %dma_start3A_136] : memref<10240x128xf32, #tpu.memory_space<vmem_shared>> -> memref<88x128xf32, #tpu.memory_space<vmem_shared>>
      %dma_start3A_138 = arith.constant 0 : i32
      %dma_start3A_139 = arith.constant 0 : i32
      %dma_start3A_140 = tpu.memref_slice %arg11[%dma_start3A_138, %dma_start3A_139] : memref<88x128xf32, #tpu.memory_space<vmem>> -> memref<88x128xf32, #tpu.memory_space<vmem>>
      %dma_start3A_141 = arith.constant 0 : i32
      %dma_start3A_142 = tpu.memref_slice %arg15[%add3A_104, %dma_start3A_141] : memref<10240x128xf32, #tpu.memory_space<vmem_shared>> -> memref<88x128xf32, #tpu.memory_space<vmem_shared>>
      tpu.enqueue_dma source(%dma_start3A_142 : memref<88x128xf32, #tpu.memory_space<vmem_shared>>) target(%dma_start3A_140 : memref<88x128xf32, #tpu.memory_space<vmem>>) target_semaphore(%run_scoped3A : memref<!tpu.dma_semaphore, #tpu.memory_space<semaphore_mem>>)
      %dma_wait3A_143 = arith.constant 0 : i32
      %dma_wait3A_144 = arith.constant 0 : i32
      %dma_wait3A_145 = tpu.memref_slice %arg11[%dma_wait3A_143, %dma_wait3A_144] : memref<88x128xf32, #tpu.memory_space<vmem>> -> memref<88x128xf32, #tpu.memory_space<vmem>>
      %dma_wait3A_146 = arith.constant 0 : i32
      %dma_wait3A_147 = tpu.memref_slice %arg15[%add3A_104, %dma_wait3A_146] : memref<10240x128xf32, #tpu.memory_space<vmem_shared>> -> memref<88x128xf32, #tpu.memory_space<vmem_shared>>
      %dma_wait3A_148 = arith.constant 0 : i32
      %dma_wait3A_149 = arith.constant 0 : i32
      %dma_wait3A_150 = tpu.memref_slice %arg11[%dma_wait3A_148, %dma_wait3A_149] : memref<88x128xf32, #tpu.memory_space<vmem>> -> memref<88x128xf32, #tpu.memory_space<vmem>>
      %dma_wait3A_151 = arith.constant 0 : i32
      %dma_wait3A_152 = tpu.memref_slice %arg15[%add3A_104, %dma_wait3A_151] : memref<10240x128xf32, #tpu.memory_space<vmem_shared>> -> memref<88x128xf32, #tpu.memory_space<vmem_shared>>
      tpu.wait_dma2 semaphore(%run_scoped3A : memref<!tpu.dma_semaphore, #tpu.memory_space<semaphore_mem>>) src(%dma_wait3A_152 : memref<88x128xf32, #tpu.memory_space<vmem_shared>>) dst(%dma_wait3A_150 : memref<88x128xf32, #tpu.memory_space<vmem>>)
      tpu.yield
    }) : () -> ()
    "tpu.region"() ({
      %run_scoped3A = tpu.sem_alloc : memref<!tpu.dma_semaphore, #tpu.memory_space<semaphore_mem>>
      %dma_start3A_133 = arith.constant 0 : i32
      %dma_start3A_134 = arith.constant 0 : i32
      %dma_start3A_135 = tpu.memref_slice %arg11[%dma_start3A_133, %dma_start3A_134] : memref<88x128xf32, #tpu.memory_space<vmem>> -> memref<88x128xf32, #tpu.memory_space<vmem>>
      %dma_start3A_136 = arith.constant 0 : i32
      %dma_start3A_137 = tpu.memref_slice %arg6[%arg0, %add3A_104, %dma_start3A_136] : memref<2x10240x128xf32, #tpu.memory_space<hbm>> -> memref<1x88x128xf32, #tpu.memory_space<hbm>>
      %dma_start3A_138 = tpu.memref_squeeze %dma_start3A_137 : memref<1x88x128xf32, #tpu.memory_space<hbm>> -> memref<88x128xf32, #tpu.memory_space<hbm>>
      %dma_start3A_139 = arith.constant 0 : i32
      %dma_start3A_140 = tpu.memref_slice %arg6[%arg0, %add3A_104, %dma_start3A_139] : memref<2x10240x128xf32, #tpu.memory_space<hbm>> -> memref<1x88x128xf32, #tpu.memory_space<hbm>>
      %dma_start3A_141 = tpu.memref_squeeze %dma_start3A_140 : memref<1x88x128xf32, #tpu.memory_space<hbm>> -> memref<88x128xf32, #tpu.memory_space<hbm>>
      %dma_start3A_142 = arith.constant 0 : i32
      %dma_start3A_143 = arith.constant 0 : i32
      %dma_start3A_144 = tpu.memref_slice %arg11[%dma_start3A_142, %dma_start3A_143] : memref<88x128xf32, #tpu.memory_space<vmem>> -> memref<88x128xf32, #tpu.memory_space<vmem>>
      tpu.enqueue_dma source(%dma_start3A_144 : memref<88x128xf32, #tpu.memory_space<vmem>>) target(%dma_start3A_141 : memref<88x128xf32, #tpu.memory_space<hbm>>) target_semaphore(%run_scoped3A : memref<!tpu.dma_semaphore, #tpu.memory_space<semaphore_mem>>)
      %dma_wait3A_145 = arith.constant 0 : i32
      %dma_wait3A_146 = arith.constant 0 : i32
      %dma_wait3A_147 = tpu.memref_slice %arg11[%dma_wait3A_145, %dma_wait3A_146] : memref<88x128xf32, #tpu.memory_space<vmem>> -> memref<88x128xf32, #tpu.memory_space<vmem>>
      %dma_wait3A_148 = arith.constant 0 : i32
      %dma_wait3A_149 = tpu.memref_slice %arg6[%arg0, %add3A_104, %dma_wait3A_148] : memref<2x10240x128xf32, #tpu.memory_space<hbm>> -> memref<1x88x128xf32, #tpu.memory_space<hbm>>
      %dma_wait3A_150 = tpu.memref_squeeze %dma_wait3A_149 : memref<1x88x128xf32, #tpu.memory_space<hbm>> -> memref<88x128xf32, #tpu.memory_space<hbm>>
      %dma_wait3A_151 = arith.constant 0 : i32
      %dma_wait3A_152 = tpu.memref_slice %arg6[%arg0, %add3A_104, %dma_wait3A_151] : memref<2x10240x128xf32, #tpu.memory_space<hbm>> -> memref<1x88x128xf32, #tpu.memory_space<hbm>>
      %dma_wait3A_153 = tpu.memref_squeeze %dma_wait3A_152 : memref<1x88x128xf32, #tpu.memory_space<hbm>> -> memref<88x128xf32, #tpu.memory_space<hbm>>
      %dma_wait3A_154 = arith.constant 0 : i32
      %dma_wait3A_155 = arith.constant 0 : i32
      %dma_wait3A_156 = tpu.memref_slice %arg11[%dma_wait3A_154, %dma_wait3A_155] : memref<88x128xf32, #tpu.memory_space<vmem>> -> memref<88x128xf32, #tpu.memory_space<vmem>>
      tpu.wait_dma2 semaphore(%run_scoped3A : memref<!tpu.dma_semaphore, #tpu.memory_space<semaphore_mem>>) src(%dma_wait3A_156 : memref<88x128xf32, #tpu.memory_space<vmem>>) dst(%dma_wait3A_153 : memref<88x128xf32, #tpu.memory_space<hbm>>)
      tpu.yield
    }) : () -> ()
    %mul3A_105 = arith.constant 640 : i32
    %mul3A_106 = arith.muli %arg1, %mul3A_105 : i32
    %add3A_107 = arith.constant 88 : i32
    %add3A_108 = arith.addi %mul3A_106, %add3A_107 : i32
    "tpu.region"() ({
      %run_scoped3A = tpu.sem_alloc : memref<!tpu.dma_semaphore, #tpu.memory_space<semaphore_mem>>
      %dma_start3A_133 = arith.constant 0 : i32
      %dma_start3A_134 = arith.constant 0 : i32
      %dma_start3A_135 = tpu.memref_slice %arg11[%dma_start3A_133, %dma_start3A_134] : memref<88x128xf32, #tpu.memory_space<vmem>> -> memref<88x128xf32, #tpu.memory_space<vmem>>
      %dma_start3A_136 = arith.constant 0 : i32
      %dma_start3A_137 = tpu.memref_slice %arg15[%add3A_108, %dma_start3A_136] : memref<10240x128xf32, #tpu.memory_space<vmem_shared>> -> memref<88x128xf32, #tpu.memory_space<vmem_shared>>
      %dma_start3A_138 = arith.constant 0 : i32
      %dma_start3A_139 = arith.constant 0 : i32
      %dma_start3A_140 = tpu.memref_slice %arg11[%dma_start3A_138, %dma_start3A_139] : memref<88x128xf32, #tpu.memory_space<vmem>> -> memref<88x128xf32, #tpu.memory_space<vmem>>
      %dma_start3A_141 = arith.constant 0 : i32
      %dma_start3A_142 = tpu.memref_slice %arg15[%add3A_108, %dma_start3A_141] : memref<10240x128xf32, #tpu.memory_space<vmem_shared>> -> memref<88x128xf32, #tpu.memory_space<vmem_shared>>
      tpu.enqueue_dma source(%dma_start3A_142 : memref<88x128xf32, #tpu.memory_space<vmem_shared>>) target(%dma_start3A_140 : memref<88x128xf32, #tpu.memory_space<vmem>>) target_semaphore(%run_scoped3A : memref<!tpu.dma_semaphore, #tpu.memory_space<semaphore_mem>>)
      %dma_wait3A_143 = arith.constant 0 : i32
      %dma_wait3A_144 = arith.constant 0 : i32
      %dma_wait3A_145 = tpu.memref_slice %arg11[%dma_wait3A_143, %dma_wait3A_144] : memref<88x128xf32, #tpu.memory_space<vmem>> -> memref<88x128xf32, #tpu.memory_space<vmem>>
      %dma_wait3A_146 = arith.constant 0 : i32
      %dma_wait3A_147 = tpu.memref_slice %arg15[%add3A_108, %dma_wait3A_146] : memref<10240x128xf32, #tpu.memory_space<vmem_shared>> -> memref<88x128xf32, #tpu.memory_space<vmem_shared>>
      %dma_wait3A_148 = arith.constant 0 : i32
      %dma_wait3A_149 = arith.constant 0 : i32
      %dma_wait3A_150 = tpu.memref_slice %arg11[%dma_wait3A_148, %dma_wait3A_149] : memref<88x128xf32, #tpu.memory_space<vmem>> -> memref<88x128xf32, #tpu.memory_space<vmem>>
      %dma_wait3A_151 = arith.constant 0 : i32
      %dma_wait3A_152 = tpu.memref_slice %arg15[%add3A_108, %dma_wait3A_151] : memref<10240x128xf32, #tpu.memory_space<vmem_shared>> -> memref<88x128xf32, #tpu.memory_space<vmem_shared>>
      tpu.wait_dma2 semaphore(%run_scoped3A : memref<!tpu.dma_semaphore, #tpu.memory_space<semaphore_mem>>) src(%dma_wait3A_152 : memref<88x128xf32, #tpu.memory_space<vmem_shared>>) dst(%dma_wait3A_150 : memref<88x128xf32, #tpu.memory_space<vmem>>)
      tpu.yield
    }) : () -> ()
    "tpu.region"() ({
      %run_scoped3A = tpu.sem_alloc : memref<!tpu.dma_semaphore, #tpu.memory_space<semaphore_mem>>
      %dma_start3A_133 = arith.constant 0 : i32
      %dma_start3A_134 = arith.constant 0 : i32
      %dma_start3A_135 = tpu.memref_slice %arg11[%dma_start3A_133, %dma_start3A_134] : memref<88x128xf32, #tpu.memory_space<vmem>> -> memref<88x128xf32, #tpu.memory_space<vmem>>
      %dma_start3A_136 = arith.constant 0 : i32
      %dma_start3A_137 = tpu.memref_slice %arg6[%arg0, %add3A_108, %dma_start3A_136] : memref<2x10240x128xf32, #tpu.memory_space<hbm>> -> memref<1x88x128xf32, #tpu.memory_space<hbm>>
      %dma_start3A_138 = tpu.memref_squeeze %dma_start3A_137 : memref<1x88x128xf32, #tpu.memory_space<hbm>> -> memref<88x128xf32, #tpu.memory_space<hbm>>
      %dma_start3A_139 = arith.constant 0 : i32
      %dma_start3A_140 = tpu.memref_slice %arg6[%arg0, %add3A_108, %dma_start3A_139] : memref<2x10240x128xf32, #tpu.memory_space<hbm>> -> memref<1x88x128xf32, #tpu.memory_space<hbm>>
      %dma_start3A_141 = tpu.memref_squeeze %dma_start3A_140 : memref<1x88x128xf32, #tpu.memory_space<hbm>> -> memref<88x128xf32, #tpu.memory_space<hbm>>
      %dma_start3A_142 = arith.constant 0 : i32
      %dma_start3A_143 = arith.constant 0 : i32
      %dma_start3A_144 = tpu.memref_slice %arg11[%dma_start3A_142, %dma_start3A_143] : memref<88x128xf32, #tpu.memory_space<vmem>> -> memref<88x128xf32, #tpu.memory_space<vmem>>
      tpu.enqueue_dma source(%dma_start3A_144 : memref<88x128xf32, #tpu.memory_space<vmem>>) target(%dma_start3A_141 : memref<88x128xf32, #tpu.memory_space<hbm>>) target_semaphore(%run_scoped3A : memref<!tpu.dma_semaphore, #tpu.memory_space<semaphore_mem>>)
      %dma_wait3A_145 = arith.constant 0 : i32
      %dma_wait3A_146 = arith.constant 0 : i32
      %dma_wait3A_147 = tpu.memref_slice %arg11[%dma_wait3A_145, %dma_wait3A_146] : memref<88x128xf32, #tpu.memory_space<vmem>> -> memref<88x128xf32, #tpu.memory_space<vmem>>
      %dma_wait3A_148 = arith.constant 0 : i32
      %dma_wait3A_149 = tpu.memref_slice %arg6[%arg0, %add3A_108, %dma_wait3A_148] : memref<2x10240x128xf32, #tpu.memory_space<hbm>> -> memref<1x88x128xf32, #tpu.memory_space<hbm>>
      %dma_wait3A_150 = tpu.memref_squeeze %dma_wait3A_149 : memref<1x88x128xf32, #tpu.memory_space<hbm>> -> memref<88x128xf32, #tpu.memory_space<hbm>>
      %dma_wait3A_151 = arith.constant 0 : i32
      %dma_wait3A_152 = tpu.memref_slice %arg6[%arg0, %add3A_108, %dma_wait3A_151] : memref<2x10240x128xf32, #tpu.memory_space<hbm>> -> memref<1x88x128xf32, #tpu.memory_space<hbm>>
      %dma_wait3A_153 = tpu.memref_squeeze %dma_wait3A_152 : memref<1x88x128xf32, #tpu.memory_space<hbm>> -> memref<88x128xf32, #tpu.memory_space<hbm>>
      %dma_wait3A_154 = arith.constant 0 : i32
      %dma_wait3A_155 = arith.constant 0 : i32
      %dma_wait3A_156 = tpu.memref_slice %arg11[%dma_wait3A_154, %dma_wait3A_155] : memref<88x128xf32, #tpu.memory_space<vmem>> -> memref<88x128xf32, #tpu.memory_space<vmem>>
      tpu.wait_dma2 semaphore(%run_scoped3A : memref<!tpu.dma_semaphore, #tpu.memory_space<semaphore_mem>>) src(%dma_wait3A_156 : memref<88x128xf32, #tpu.memory_space<vmem>>) dst(%dma_wait3A_153 : memref<88x128xf32, #tpu.memory_space<hbm>>)
      tpu.yield
    }) : () -> ()
    %mul3A_109 = arith.constant 640 : i32
    %mul3A_110 = arith.muli %arg1, %mul3A_109 : i32
    %add3A_111 = arith.constant 176 : i32
    %add3A_112 = arith.addi %mul3A_110, %add3A_111 : i32
    "tpu.region"() ({
      %run_scoped3A = tpu.sem_alloc : memref<!tpu.dma_semaphore, #tpu.memory_space<semaphore_mem>>
      %dma_start3A_133 = arith.constant 0 : i32
      %dma_start3A_134 = arith.constant 0 : i32
      %dma_start3A_135 = tpu.memref_slice %arg11[%dma_start3A_133, %dma_start3A_134] : memref<88x128xf32, #tpu.memory_space<vmem>> -> memref<88x128xf32, #tpu.memory_space<vmem>>
      %dma_start3A_136 = arith.constant 0 : i32
      %dma_start3A_137 = tpu.memref_slice %arg15[%add3A_112, %dma_start3A_136] : memref<10240x128xf32, #tpu.memory_space<vmem_shared>> -> memref<88x128xf32, #tpu.memory_space<vmem_shared>>
      %dma_start3A_138 = arith.constant 0 : i32
      %dma_start3A_139 = arith.constant 0 : i32
      %dma_start3A_140 = tpu.memref_slice %arg11[%dma_start3A_138, %dma_start3A_139] : memref<88x128xf32, #tpu.memory_space<vmem>> -> memref<88x128xf32, #tpu.memory_space<vmem>>
      %dma_start3A_141 = arith.constant 0 : i32
      %dma_start3A_142 = tpu.memref_slice %arg15[%add3A_112, %dma_start3A_141] : memref<10240x128xf32, #tpu.memory_space<vmem_shared>> -> memref<88x128xf32, #tpu.memory_space<vmem_shared>>
      tpu.enqueue_dma source(%dma_start3A_142 : memref<88x128xf32, #tpu.memory_space<vmem_shared>>) target(%dma_start3A_140 : memref<88x128xf32, #tpu.memory_space<vmem>>) target_semaphore(%run_scoped3A : memref<!tpu.dma_semaphore, #tpu.memory_space<semaphore_mem>>)
      %dma_wait3A_143 = arith.constant 0 : i32
      %dma_wait3A_144 = arith.constant 0 : i32
      %dma_wait3A_145 = tpu.memref_slice %arg11[%dma_wait3A_143, %dma_wait3A_144] : memref<88x128xf32, #tpu.memory_space<vmem>> -> memref<88x128xf32, #tpu.memory_space<vmem>>
      %dma_wait3A_146 = arith.constant 0 : i32
      %dma_wait3A_147 = tpu.memref_slice %arg15[%add3A_112, %dma_wait3A_146] : memref<10240x128xf32, #tpu.memory_space<vmem_shared>> -> memref<88x128xf32, #tpu.memory_space<vmem_shared>>
      %dma_wait3A_148 = arith.constant 0 : i32
      %dma_wait3A_149 = arith.constant 0 : i32
      %dma_wait3A_150 = tpu.memref_slice %arg11[%dma_wait3A_148, %dma_wait3A_149] : memref<88x128xf32, #tpu.memory_space<vmem>> -> memref<88x128xf32, #tpu.memory_space<vmem>>
      %dma_wait3A_151 = arith.constant 0 : i32
      %dma_wait3A_152 = tpu.memref_slice %arg15[%add3A_112, %dma_wait3A_151] : memref<10240x128xf32, #tpu.memory_space<vmem_shared>> -> memref<88x128xf32, #tpu.memory_space<vmem_shared>>
      tpu.wait_dma2 semaphore(%run_scoped3A : memref<!tpu.dma_semaphore, #tpu.memory_space<semaphore_mem>>) src(%dma_wait3A_152 : memref<88x128xf32, #tpu.memory_space<vmem_shared>>) dst(%dma_wait3A_150 : memref<88x128xf32, #tpu.memory_space<vmem>>)
      tpu.yield
    }) : () -> ()
    "tpu.region"() ({
      %run_scoped3A = tpu.sem_alloc : memref<!tpu.dma_semaphore, #tpu.memory_space<semaphore_mem>>
      %dma_start3A_133 = arith.constant 0 : i32
      %dma_start3A_134 = arith.constant 0 : i32
      %dma_start3A_135 = tpu.memref_slice %arg11[%dma_start3A_133, %dma_start3A_134] : memref<88x128xf32, #tpu.memory_space<vmem>> -> memref<88x128xf32, #tpu.memory_space<vmem>>
      %dma_start3A_136 = arith.constant 0 : i32
      %dma_start3A_137 = tpu.memref_slice %arg6[%arg0, %add3A_112, %dma_start3A_136] : memref<2x10240x128xf32, #tpu.memory_space<hbm>> -> memref<1x88x128xf32, #tpu.memory_space<hbm>>
      %dma_start3A_138 = tpu.memref_squeeze %dma_start3A_137 : memref<1x88x128xf32, #tpu.memory_space<hbm>> -> memref<88x128xf32, #tpu.memory_space<hbm>>
      %dma_start3A_139 = arith.constant 0 : i32
      %dma_start3A_140 = tpu.memref_slice %arg6[%arg0, %add3A_112, %dma_start3A_139] : memref<2x10240x128xf32, #tpu.memory_space<hbm>> -> memref<1x88x128xf32, #tpu.memory_space<hbm>>
      %dma_start3A_141 = tpu.memref_squeeze %dma_start3A_140 : memref<1x88x128xf32, #tpu.memory_space<hbm>> -> memref<88x128xf32, #tpu.memory_space<hbm>>
      %dma_start3A_142 = arith.constant 0 : i32
      %dma_start3A_143 = arith.constant 0 : i32
      %dma_start3A_144 = tpu.memref_slice %arg11[%dma_start3A_142, %dma_start3A_143] : memref<88x128xf32, #tpu.memory_space<vmem>> -> memref<88x128xf32, #tpu.memory_space<vmem>>
      tpu.enqueue_dma source(%dma_start3A_144 : memref<88x128xf32, #tpu.memory_space<vmem>>) target(%dma_start3A_141 : memref<88x128xf32, #tpu.memory_space<hbm>>) target_semaphore(%run_scoped3A : memref<!tpu.dma_semaphore, #tpu.memory_space<semaphore_mem>>)
      %dma_wait3A_145 = arith.constant 0 : i32
      %dma_wait3A_146 = arith.constant 0 : i32
      %dma_wait3A_147 = tpu.memref_slice %arg11[%dma_wait3A_145, %dma_wait3A_146] : memref<88x128xf32, #tpu.memory_space<vmem>> -> memref<88x128xf32, #tpu.memory_space<vmem>>
      %dma_wait3A_148 = arith.constant 0 : i32
      %dma_wait3A_149 = tpu.memref_slice %arg6[%arg0, %add3A_112, %dma_wait3A_148] : memref<2x10240x128xf32, #tpu.memory_space<hbm>> -> memref<1x88x128xf32, #tpu.memory_space<hbm>>
      %dma_wait3A_150 = tpu.memref_squeeze %dma_wait3A_149 : memref<1x88x128xf32, #tpu.memory_space<hbm>> -> memref<88x128xf32, #tpu.memory_space<hbm>>
      %dma_wait3A_151 = arith.constant 0 : i32
      %dma_wait3A_152 = tpu.memref_slice %arg6[%arg0, %add3A_112, %dma_wait3A_151] : memref<2x10240x128xf32, #tpu.memory_space<hbm>> -> memref<1x88x128xf32, #tpu.memory_space<hbm>>
      %dma_wait3A_153 = tpu.memref_squeeze %dma_wait3A_152 : memref<1x88x128xf32, #tpu.memory_space<hbm>> -> memref<88x128xf32, #tpu.memory_space<hbm>>
      %dma_wait3A_154 = arith.constant 0 : i32
      %dma_wait3A_155 = arith.constant 0 : i32
      %dma_wait3A_156 = tpu.memref_slice %arg11[%dma_wait3A_154, %dma_wait3A_155] : memref<88x128xf32, #tpu.memory_space<vmem>> -> memref<88x128xf32, #tpu.memory_space<vmem>>
      tpu.wait_dma2 semaphore(%run_scoped3A : memref<!tpu.dma_semaphore, #tpu.memory_space<semaphore_mem>>) src(%dma_wait3A_156 : memref<88x128xf32, #tpu.memory_space<vmem>>) dst(%dma_wait3A_153 : memref<88x128xf32, #tpu.memory_space<hbm>>)
      tpu.yield
    }) : () -> ()
    %mul3A_113 = arith.constant 640 : i32
    %mul3A_114 = arith.muli %arg1, %mul3A_113 : i32
    %add3A_115 = arith.constant 264 : i32
    %add3A_116 = arith.addi %mul3A_114, %add3A_115 : i32
    "tpu.region"() ({
      %run_scoped3A = tpu.sem_alloc : memref<!tpu.dma_semaphore, #tpu.memory_space<semaphore_mem>>
      %dma_start3A_133 = arith.constant 0 : i32
      %dma_start3A_134 = arith.constant 0 : i32
      %dma_start3A_135 = tpu.memref_slice %arg11[%dma_start3A_133, %dma_start3A_134] : memref<88x128xf32, #tpu.memory_space<vmem>> -> memref<88x128xf32, #tpu.memory_space<vmem>>
      %dma_start3A_136 = arith.constant 0 : i32
      %dma_start3A_137 = tpu.memref_slice %arg15[%add3A_116, %dma_start3A_136] : memref<10240x128xf32, #tpu.memory_space<vmem_shared>> -> memref<88x128xf32, #tpu.memory_space<vmem_shared>>
      %dma_start3A_138 = arith.constant 0 : i32
      %dma_start3A_139 = arith.constant 0 : i32
      %dma_start3A_140 = tpu.memref_slice %arg11[%dma_start3A_138, %dma_start3A_139] : memref<88x128xf32, #tpu.memory_space<vmem>> -> memref<88x128xf32, #tpu.memory_space<vmem>>
      %dma_start3A_141 = arith.constant 0 : i32
      %dma_start3A_142 = tpu.memref_slice %arg15[%add3A_116, %dma_start3A_141] : memref<10240x128xf32, #tpu.memory_space<vmem_shared>> -> memref<88x128xf32, #tpu.memory_space<vmem_shared>>
      tpu.enqueue_dma source(%dma_start3A_142 : memref<88x128xf32, #tpu.memory_space<vmem_shared>>) target(%dma_start3A_140 : memref<88x128xf32, #tpu.memory_space<vmem>>) target_semaphore(%run_scoped3A : memref<!tpu.dma_semaphore, #tpu.memory_space<semaphore_mem>>)
      %dma_wait3A_143 = arith.constant 0 : i32
      %dma_wait3A_144 = arith.constant 0 : i32
      %dma_wait3A_145 = tpu.memref_slice %arg11[%dma_wait3A_143, %dma_wait3A_144] : memref<88x128xf32, #tpu.memory_space<vmem>> -> memref<88x128xf32, #tpu.memory_space<vmem>>
      %dma_wait3A_146 = arith.constant 0 : i32
      %dma_wait3A_147 = tpu.memref_slice %arg15[%add3A_116, %dma_wait3A_146] : memref<10240x128xf32, #tpu.memory_space<vmem_shared>> -> memref<88x128xf32, #tpu.memory_space<vmem_shared>>
      %dma_wait3A_148 = arith.constant 0 : i32
      %dma_wait3A_149 = arith.constant 0 : i32
      %dma_wait3A_150 = tpu.memref_slice %arg11[%dma_wait3A_148, %dma_wait3A_149] : memref<88x128xf32, #tpu.memory_space<vmem>> -> memref<88x128xf32, #tpu.memory_space<vmem>>
      %dma_wait3A_151 = arith.constant 0 : i32
      %dma_wait3A_152 = tpu.memref_slice %arg15[%add3A_116, %dma_wait3A_151] : memref<10240x128xf32, #tpu.memory_space<vmem_shared>> -> memref<88x128xf32, #tpu.memory_space<vmem_shared>>
      tpu.wait_dma2 semaphore(%run_scoped3A : memref<!tpu.dma_semaphore, #tpu.memory_space<semaphore_mem>>) src(%dma_wait3A_152 : memref<88x128xf32, #tpu.memory_space<vmem_shared>>) dst(%dma_wait3A_150 : memref<88x128xf32, #tpu.memory_space<vmem>>)
      tpu.yield
    }) : () -> ()
    "tpu.region"() ({
      %run_scoped3A = tpu.sem_alloc : memref<!tpu.dma_semaphore, #tpu.memory_space<semaphore_mem>>
      %dma_start3A_133 = arith.constant 0 : i32
      %dma_start3A_134 = arith.constant 0 : i32
      %dma_start3A_135 = tpu.memref_slice %arg11[%dma_start3A_133, %dma_start3A_134] : memref<88x128xf32, #tpu.memory_space<vmem>> -> memref<88x128xf32, #tpu.memory_space<vmem>>
      %dma_start3A_136 = arith.constant 0 : i32
      %dma_start3A_137 = tpu.memref_slice %arg6[%arg0, %add3A_116, %dma_start3A_136] : memref<2x10240x128xf32, #tpu.memory_space<hbm>> -> memref<1x88x128xf32, #tpu.memory_space<hbm>>
      %dma_start3A_138 = tpu.memref_squeeze %dma_start3A_137 : memref<1x88x128xf32, #tpu.memory_space<hbm>> -> memref<88x128xf32, #tpu.memory_space<hbm>>
      %dma_start3A_139 = arith.constant 0 : i32
      %dma_start3A_140 = tpu.memref_slice %arg6[%arg0, %add3A_116, %dma_start3A_139] : memref<2x10240x128xf32, #tpu.memory_space<hbm>> -> memref<1x88x128xf32, #tpu.memory_space<hbm>>
      %dma_start3A_141 = tpu.memref_squeeze %dma_start3A_140 : memref<1x88x128xf32, #tpu.memory_space<hbm>> -> memref<88x128xf32, #tpu.memory_space<hbm>>
      %dma_start3A_142 = arith.constant 0 : i32
      %dma_start3A_143 = arith.constant 0 : i32
      %dma_start3A_144 = tpu.memref_slice %arg11[%dma_start3A_142, %dma_start3A_143] : memref<88x128xf32, #tpu.memory_space<vmem>> -> memref<88x128xf32, #tpu.memory_space<vmem>>
      tpu.enqueue_dma source(%dma_start3A_144 : memref<88x128xf32, #tpu.memory_space<vmem>>) target(%dma_start3A_141 : memref<88x128xf32, #tpu.memory_space<hbm>>) target_semaphore(%run_scoped3A : memref<!tpu.dma_semaphore, #tpu.memory_space<semaphore_mem>>)
      %dma_wait3A_145 = arith.constant 0 : i32
      %dma_wait3A_146 = arith.constant 0 : i32
      %dma_wait3A_147 = tpu.memref_slice %arg11[%dma_wait3A_145, %dma_wait3A_146] : memref<88x128xf32, #tpu.memory_space<vmem>> -> memref<88x128xf32, #tpu.memory_space<vmem>>
      %dma_wait3A_148 = arith.constant 0 : i32
      %dma_wait3A_149 = tpu.memref_slice %arg6[%arg0, %add3A_116, %dma_wait3A_148] : memref<2x10240x128xf32, #tpu.memory_space<hbm>> -> memref<1x88x128xf32, #tpu.memory_space<hbm>>
      %dma_wait3A_150 = tpu.memref_squeeze %dma_wait3A_149 : memref<1x88x128xf32, #tpu.memory_space<hbm>> -> memref<88x128xf32, #tpu.memory_space<hbm>>
      %dma_wait3A_151 = arith.constant 0 : i32
      %dma_wait3A_152 = tpu.memref_slice %arg6[%arg0, %add3A_116, %dma_wait3A_151] : memref<2x10240x128xf32, #tpu.memory_space<hbm>> -> memref<1x88x128xf32, #tpu.memory_space<hbm>>
      %dma_wait3A_153 = tpu.memref_squeeze %dma_wait3A_152 : memref<1x88x128xf32, #tpu.memory_space<hbm>> -> memref<88x128xf32, #tpu.memory_space<hbm>>
      %dma_wait3A_154 = arith.constant 0 : i32
      %dma_wait3A_155 = arith.constant 0 : i32
      %dma_wait3A_156 = tpu.memref_slice %arg11[%dma_wait3A_154, %dma_wait3A_155] : memref<88x128xf32, #tpu.memory_space<vmem>> -> memref<88x128xf32, #tpu.memory_space<vmem>>
      tpu.wait_dma2 semaphore(%run_scoped3A : memref<!tpu.dma_semaphore, #tpu.memory_space<semaphore_mem>>) src(%dma_wait3A_156 : memref<88x128xf32, #tpu.memory_space<vmem>>) dst(%dma_wait3A_153 : memref<88x128xf32, #tpu.memory_space<hbm>>)
      tpu.yield
    }) : () -> ()
    %mul3A_117 = arith.constant 640 : i32
    %mul3A_118 = arith.muli %arg1, %mul3A_117 : i32
    %add3A_119 = arith.constant 352 : i32
    %add3A_120 = arith.addi %mul3A_118, %add3A_119 : i32
    "tpu.region"() ({
      %run_scoped3A = tpu.sem_alloc : memref<!tpu.dma_semaphore, #tpu.memory_space<semaphore_mem>>
      %dma_start3A_133 = arith.constant 0 : i32
      %dma_start3A_134 = arith.constant 0 : i32
      %dma_start3A_135 = tpu.memref_slice %arg11[%dma_start3A_133, %dma_start3A_134] : memref<88x128xf32, #tpu.memory_space<vmem>> -> memref<88x128xf32, #tpu.memory_space<vmem>>
      %dma_start3A_136 = arith.constant 0 : i32
      %dma_start3A_137 = tpu.memref_slice %arg15[%add3A_120, %dma_start3A_136] : memref<10240x128xf32, #tpu.memory_space<vmem_shared>> -> memref<88x128xf32, #tpu.memory_space<vmem_shared>>
      %dma_start3A_138 = arith.constant 0 : i32
      %dma_start3A_139 = arith.constant 0 : i32
      %dma_start3A_140 = tpu.memref_slice %arg11[%dma_start3A_138, %dma_start3A_139] : memref<88x128xf32, #tpu.memory_space<vmem>> -> memref<88x128xf32, #tpu.memory_space<vmem>>
      %dma_start3A_141 = arith.constant 0 : i32
      %dma_start3A_142 = tpu.memref_slice %arg15[%add3A_120, %dma_start3A_141] : memref<10240x128xf32, #tpu.memory_space<vmem_shared>> -> memref<88x128xf32, #tpu.memory_space<vmem_shared>>
      tpu.enqueue_dma source(%dma_start3A_142 : memref<88x128xf32, #tpu.memory_space<vmem_shared>>) target(%dma_start3A_140 : memref<88x128xf32, #tpu.memory_space<vmem>>) target_semaphore(%run_scoped3A : memref<!tpu.dma_semaphore, #tpu.memory_space<semaphore_mem>>)
      %dma_wait3A_143 = arith.constant 0 : i32
      %dma_wait3A_144 = arith.constant 0 : i32
      %dma_wait3A_145 = tpu.memref_slice %arg11[%dma_wait3A_143, %dma_wait3A_144] : memref<88x128xf32, #tpu.memory_space<vmem>> -> memref<88x128xf32, #tpu.memory_space<vmem>>
      %dma_wait3A_146 = arith.constant 0 : i32
      %dma_wait3A_147 = tpu.memref_slice %arg15[%add3A_120, %dma_wait3A_146] : memref<10240x128xf32, #tpu.memory_space<vmem_shared>> -> memref<88x128xf32, #tpu.memory_space<vmem_shared>>
      %dma_wait3A_148 = arith.constant 0 : i32
      %dma_wait3A_149 = arith.constant 0 : i32
      %dma_wait3A_150 = tpu.memref_slice %arg11[%dma_wait3A_148, %dma_wait3A_149] : memref<88x128xf32, #tpu.memory_space<vmem>> -> memref<88x128xf32, #tpu.memory_space<vmem>>
      %dma_wait3A_151 = arith.constant 0 : i32
      %dma_wait3A_152 = tpu.memref_slice %arg15[%add3A_120, %dma_wait3A_151] : memref<10240x128xf32, #tpu.memory_space<vmem_shared>> -> memref<88x128xf32, #tpu.memory_space<vmem_shared>>
      tpu.wait_dma2 semaphore(%run_scoped3A : memref<!tpu.dma_semaphore, #tpu.memory_space<semaphore_mem>>) src(%dma_wait3A_152 : memref<88x128xf32, #tpu.memory_space<vmem_shared>>) dst(%dma_wait3A_150 : memref<88x128xf32, #tpu.memory_space<vmem>>)
      tpu.yield
    }) : () -> ()
    "tpu.region"() ({
      %run_scoped3A = tpu.sem_alloc : memref<!tpu.dma_semaphore, #tpu.memory_space<semaphore_mem>>
      %dma_start3A_133 = arith.constant 0 : i32
      %dma_start3A_134 = arith.constant 0 : i32
      %dma_start3A_135 = tpu.memref_slice %arg11[%dma_start3A_133, %dma_start3A_134] : memref<88x128xf32, #tpu.memory_space<vmem>> -> memref<88x128xf32, #tpu.memory_space<vmem>>
      %dma_start3A_136 = arith.constant 0 : i32
      %dma_start3A_137 = tpu.memref_slice %arg6[%arg0, %add3A_120, %dma_start3A_136] : memref<2x10240x128xf32, #tpu.memory_space<hbm>> -> memref<1x88x128xf32, #tpu.memory_space<hbm>>
      %dma_start3A_138 = tpu.memref_squeeze %dma_start3A_137 : memref<1x88x128xf32, #tpu.memory_space<hbm>> -> memref<88x128xf32, #tpu.memory_space<hbm>>
      %dma_start3A_139 = arith.constant 0 : i32
      %dma_start3A_140 = tpu.memref_slice %arg6[%arg0, %add3A_120, %dma_start3A_139] : memref<2x10240x128xf32, #tpu.memory_space<hbm>> -> memref<1x88x128xf32, #tpu.memory_space<hbm>>
      %dma_start3A_141 = tpu.memref_squeeze %dma_start3A_140 : memref<1x88x128xf32, #tpu.memory_space<hbm>> -> memref<88x128xf32, #tpu.memory_space<hbm>>
      %dma_start3A_142 = arith.constant 0 : i32
      %dma_start3A_143 = arith.constant 0 : i32
      %dma_start3A_144 = tpu.memref_slice %arg11[%dma_start3A_142, %dma_start3A_143] : memref<88x128xf32, #tpu.memory_space<vmem>> -> memref<88x128xf32, #tpu.memory_space<vmem>>
      tpu.enqueue_dma source(%dma_start3A_144 : memref<88x128xf32, #tpu.memory_space<vmem>>) target(%dma_start3A_141 : memref<88x128xf32, #tpu.memory_space<hbm>>) target_semaphore(%run_scoped3A : memref<!tpu.dma_semaphore, #tpu.memory_space<semaphore_mem>>)
      %dma_wait3A_145 = arith.constant 0 : i32
      %dma_wait3A_146 = arith.constant 0 : i32
      %dma_wait3A_147 = tpu.memref_slice %arg11[%dma_wait3A_145, %dma_wait3A_146] : memref<88x128xf32, #tpu.memory_space<vmem>> -> memref<88x128xf32, #tpu.memory_space<vmem>>
      %dma_wait3A_148 = arith.constant 0 : i32
      %dma_wait3A_149 = tpu.memref_slice %arg6[%arg0, %add3A_120, %dma_wait3A_148] : memref<2x10240x128xf32, #tpu.memory_space<hbm>> -> memref<1x88x128xf32, #tpu.memory_space<hbm>>
      %dma_wait3A_150 = tpu.memref_squeeze %dma_wait3A_149 : memref<1x88x128xf32, #tpu.memory_space<hbm>> -> memref<88x128xf32, #tpu.memory_space<hbm>>
      %dma_wait3A_151 = arith.constant 0 : i32
      %dma_wait3A_152 = tpu.memref_slice %arg6[%arg0, %add3A_120, %dma_wait3A_151] : memref<2x10240x128xf32, #tpu.memory_space<hbm>> -> memref<1x88x128xf32, #tpu.memory_space<hbm>>
      %dma_wait3A_153 = tpu.memref_squeeze %dma_wait3A_152 : memref<1x88x128xf32, #tpu.memory_space<hbm>> -> memref<88x128xf32, #tpu.memory_space<hbm>>
      %dma_wait3A_154 = arith.constant 0 : i32
      %dma_wait3A_155 = arith.constant 0 : i32
      %dma_wait3A_156 = tpu.memref_slice %arg11[%dma_wait3A_154, %dma_wait3A_155] : memref<88x128xf32, #tpu.memory_space<vmem>> -> memref<88x128xf32, #tpu.memory_space<vmem>>
      tpu.wait_dma2 semaphore(%run_scoped3A : memref<!tpu.dma_semaphore, #tpu.memory_space<semaphore_mem>>) src(%dma_wait3A_156 : memref<88x128xf32, #tpu.memory_space<vmem>>) dst(%dma_wait3A_153 : memref<88x128xf32, #tpu.memory_space<hbm>>)
      tpu.yield
    }) : () -> ()
    %mul3A_121 = arith.constant 640 : i32
    %mul3A_122 = arith.muli %arg1, %mul3A_121 : i32
    %add3A_123 = arith.constant 440 : i32
    %add3A_124 = arith.addi %mul3A_122, %add3A_123 : i32
    "tpu.region"() ({
      %run_scoped3A = tpu.sem_alloc : memref<!tpu.dma_semaphore, #tpu.memory_space<semaphore_mem>>
      %dma_start3A_133 = arith.constant 0 : i32
      %dma_start3A_134 = arith.constant 0 : i32
      %dma_start3A_135 = tpu.memref_slice %arg11[%dma_start3A_133, %dma_start3A_134] : memref<88x128xf32, #tpu.memory_space<vmem>> -> memref<88x128xf32, #tpu.memory_space<vmem>>
      %dma_start3A_136 = arith.constant 0 : i32
      %dma_start3A_137 = tpu.memref_slice %arg15[%add3A_124, %dma_start3A_136] : memref<10240x128xf32, #tpu.memory_space<vmem_shared>> -> memref<88x128xf32, #tpu.memory_space<vmem_shared>>
      %dma_start3A_138 = arith.constant 0 : i32
      %dma_start3A_139 = arith.constant 0 : i32
      %dma_start3A_140 = tpu.memref_slice %arg11[%dma_start3A_138, %dma_start3A_139] : memref<88x128xf32, #tpu.memory_space<vmem>> -> memref<88x128xf32, #tpu.memory_space<vmem>>
      %dma_start3A_141 = arith.constant 0 : i32
      %dma_start3A_142 = tpu.memref_slice %arg15[%add3A_124, %dma_start3A_141] : memref<10240x128xf32, #tpu.memory_space<vmem_shared>> -> memref<88x128xf32, #tpu.memory_space<vmem_shared>>
      tpu.enqueue_dma source(%dma_start3A_142 : memref<88x128xf32, #tpu.memory_space<vmem_shared>>) target(%dma_start3A_140 : memref<88x128xf32, #tpu.memory_space<vmem>>) target_semaphore(%run_scoped3A : memref<!tpu.dma_semaphore, #tpu.memory_space<semaphore_mem>>)
      %dma_wait3A_143 = arith.constant 0 : i32
      %dma_wait3A_144 = arith.constant 0 : i32
      %dma_wait3A_145 = tpu.memref_slice %arg11[%dma_wait3A_143, %dma_wait3A_144] : memref<88x128xf32, #tpu.memory_space<vmem>> -> memref<88x128xf32, #tpu.memory_space<vmem>>
      %dma_wait3A_146 = arith.constant 0 : i32
      %dma_wait3A_147 = tpu.memref_slice %arg15[%add3A_124, %dma_wait3A_146] : memref<10240x128xf32, #tpu.memory_space<vmem_shared>> -> memref<88x128xf32, #tpu.memory_space<vmem_shared>>
      %dma_wait3A_148 = arith.constant 0 : i32
      %dma_wait3A_149 = arith.constant 0 : i32
      %dma_wait3A_150 = tpu.memref_slice %arg11[%dma_wait3A_148, %dma_wait3A_149] : memref<88x128xf32, #tpu.memory_space<vmem>> -> memref<88x128xf32, #tpu.memory_space<vmem>>
      %dma_wait3A_151 = arith.constant 0 : i32
      %dma_wait3A_152 = tpu.memref_slice %arg15[%add3A_124, %dma_wait3A_151] : memref<10240x128xf32, #tpu.memory_space<vmem_shared>> -> memref<88x128xf32, #tpu.memory_space<vmem_shared>>
      tpu.wait_dma2 semaphore(%run_scoped3A : memref<!tpu.dma_semaphore, #tpu.memory_space<semaphore_mem>>) src(%dma_wait3A_152 : memref<88x128xf32, #tpu.memory_space<vmem_shared>>) dst(%dma_wait3A_150 : memref<88x128xf32, #tpu.memory_space<vmem>>)
      tpu.yield
    }) : () -> ()
    "tpu.region"() ({
      %run_scoped3A = tpu.sem_alloc : memref<!tpu.dma_semaphore, #tpu.memory_space<semaphore_mem>>
      %dma_start3A_133 = arith.constant 0 : i32
      %dma_start3A_134 = arith.constant 0 : i32
      %dma_start3A_135 = tpu.memref_slice %arg11[%dma_start3A_133, %dma_start3A_134] : memref<88x128xf32, #tpu.memory_space<vmem>> -> memref<88x128xf32, #tpu.memory_space<vmem>>
      %dma_start3A_136 = arith.constant 0 : i32
      %dma_start3A_137 = tpu.memref_slice %arg6[%arg0, %add3A_124, %dma_start3A_136] : memref<2x10240x128xf32, #tpu.memory_space<hbm>> -> memref<1x88x128xf32, #tpu.memory_space<hbm>>
      %dma_start3A_138 = tpu.memref_squeeze %dma_start3A_137 : memref<1x88x128xf32, #tpu.memory_space<hbm>> -> memref<88x128xf32, #tpu.memory_space<hbm>>
      %dma_start3A_139 = arith.constant 0 : i32
      %dma_start3A_140 = tpu.memref_slice %arg6[%arg0, %add3A_124, %dma_start3A_139] : memref<2x10240x128xf32, #tpu.memory_space<hbm>> -> memref<1x88x128xf32, #tpu.memory_space<hbm>>
      %dma_start3A_141 = tpu.memref_squeeze %dma_start3A_140 : memref<1x88x128xf32, #tpu.memory_space<hbm>> -> memref<88x128xf32, #tpu.memory_space<hbm>>
      %dma_start3A_142 = arith.constant 0 : i32
      %dma_start3A_143 = arith.constant 0 : i32
      %dma_start3A_144 = tpu.memref_slice %arg11[%dma_start3A_142, %dma_start3A_143] : memref<88x128xf32, #tpu.memory_space<vmem>> -> memref<88x128xf32, #tpu.memory_space<vmem>>
      tpu.enqueue_dma source(%dma_start3A_144 : memref<88x128xf32, #tpu.memory_space<vmem>>) target(%dma_start3A_141 : memref<88x128xf32, #tpu.memory_space<hbm>>) target_semaphore(%run_scoped3A : memref<!tpu.dma_semaphore, #tpu.memory_space<semaphore_mem>>)
      %dma_wait3A_145 = arith.constant 0 : i32
      %dma_wait3A_146 = arith.constant 0 : i32
      %dma_wait3A_147 = tpu.memref_slice %arg11[%dma_wait3A_145, %dma_wait3A_146] : memref<88x128xf32, #tpu.memory_space<vmem>> -> memref<88x128xf32, #tpu.memory_space<vmem>>
      %dma_wait3A_148 = arith.constant 0 : i32
      %dma_wait3A_149 = tpu.memref_slice %arg6[%arg0, %add3A_124, %dma_wait3A_148] : memref<2x10240x128xf32, #tpu.memory_space<hbm>> -> memref<1x88x128xf32, #tpu.memory_space<hbm>>
      %dma_wait3A_150 = tpu.memref_squeeze %dma_wait3A_149 : memref<1x88x128xf32, #tpu.memory_space<hbm>> -> memref<88x128xf32, #tpu.memory_space<hbm>>
      %dma_wait3A_151 = arith.constant 0 : i32
      %dma_wait3A_152 = tpu.memref_slice %arg6[%arg0, %add3A_124, %dma_wait3A_151] : memref<2x10240x128xf32, #tpu.memory_space<hbm>> -> memref<1x88x128xf32, #tpu.memory_space<hbm>>
      %dma_wait3A_153 = tpu.memref_squeeze %dma_wait3A_152 : memref<1x88x128xf32, #tpu.memory_space<hbm>> -> memref<88x128xf32, #tpu.memory_space<hbm>>
      %dma_wait3A_154 = arith.constant 0 : i32
      %dma_wait3A_155 = arith.constant 0 : i32
      %dma_wait3A_156 = tpu.memref_slice %arg11[%dma_wait3A_154, %dma_wait3A_155] : memref<88x128xf32, #tpu.memory_space<vmem>> -> memref<88x128xf32, #tpu.memory_space<vmem>>
      tpu.wait_dma2 semaphore(%run_scoped3A : memref<!tpu.dma_semaphore, #tpu.memory_space<semaphore_mem>>) src(%dma_wait3A_156 : memref<88x128xf32, #tpu.memory_space<vmem>>) dst(%dma_wait3A_153 : memref<88x128xf32, #tpu.memory_space<hbm>>)
      tpu.yield
    }) : () -> ()
    %mul3A_125 = arith.constant 640 : i32
    %mul3A_126 = arith.muli %arg1, %mul3A_125 : i32
    %add3A_127 = arith.constant 528 : i32
    %add3A_128 = arith.addi %mul3A_126, %add3A_127 : i32
    "tpu.region"() ({
      %run_scoped3A = tpu.sem_alloc : memref<!tpu.dma_semaphore, #tpu.memory_space<semaphore_mem>>
      %dma_start3A_133 = arith.constant 0 : i32
      %dma_start3A_134 = arith.constant 0 : i32
      %dma_start3A_135 = tpu.memref_slice %arg11[%dma_start3A_133, %dma_start3A_134] : memref<88x128xf32, #tpu.memory_space<vmem>> -> memref<88x128xf32, #tpu.memory_space<vmem>>
      %dma_start3A_136 = arith.constant 0 : i32
      %dma_start3A_137 = tpu.memref_slice %arg15[%add3A_128, %dma_start3A_136] : memref<10240x128xf32, #tpu.memory_space<vmem_shared>> -> memref<88x128xf32, #tpu.memory_space<vmem_shared>>
      %dma_start3A_138 = arith.constant 0 : i32
      %dma_start3A_139 = arith.constant 0 : i32
      %dma_start3A_140 = tpu.memref_slice %arg11[%dma_start3A_138, %dma_start3A_139] : memref<88x128xf32, #tpu.memory_space<vmem>> -> memref<88x128xf32, #tpu.memory_space<vmem>>
      %dma_start3A_141 = arith.constant 0 : i32
      %dma_start3A_142 = tpu.memref_slice %arg15[%add3A_128, %dma_start3A_141] : memref<10240x128xf32, #tpu.memory_space<vmem_shared>> -> memref<88x128xf32, #tpu.memory_space<vmem_shared>>
      tpu.enqueue_dma source(%dma_start3A_142 : memref<88x128xf32, #tpu.memory_space<vmem_shared>>) target(%dma_start3A_140 : memref<88x128xf32, #tpu.memory_space<vmem>>) target_semaphore(%run_scoped3A : memref<!tpu.dma_semaphore, #tpu.memory_space<semaphore_mem>>)
      %dma_wait3A_143 = arith.constant 0 : i32
      %dma_wait3A_144 = arith.constant 0 : i32
      %dma_wait3A_145 = tpu.memref_slice %arg11[%dma_wait3A_143, %dma_wait3A_144] : memref<88x128xf32, #tpu.memory_space<vmem>> -> memref<88x128xf32, #tpu.memory_space<vmem>>
      %dma_wait3A_146 = arith.constant 0 : i32
      %dma_wait3A_147 = tpu.memref_slice %arg15[%add3A_128, %dma_wait3A_146] : memref<10240x128xf32, #tpu.memory_space<vmem_shared>> -> memref<88x128xf32, #tpu.memory_space<vmem_shared>>
      %dma_wait3A_148 = arith.constant 0 : i32
      %dma_wait3A_149 = arith.constant 0 : i32
      %dma_wait3A_150 = tpu.memref_slice %arg11[%dma_wait3A_148, %dma_wait3A_149] : memref<88x128xf32, #tpu.memory_space<vmem>> -> memref<88x128xf32, #tpu.memory_space<vmem>>
      %dma_wait3A_151 = arith.constant 0 : i32
      %dma_wait3A_152 = tpu.memref_slice %arg15[%add3A_128, %dma_wait3A_151] : memref<10240x128xf32, #tpu.memory_space<vmem_shared>> -> memref<88x128xf32, #tpu.memory_space<vmem_shared>>
      tpu.wait_dma2 semaphore(%run_scoped3A : memref<!tpu.dma_semaphore, #tpu.memory_space<semaphore_mem>>) src(%dma_wait3A_152 : memref<88x128xf32, #tpu.memory_space<vmem_shared>>) dst(%dma_wait3A_150 : memref<88x128xf32, #tpu.memory_space<vmem>>)
      tpu.yield
    }) : () -> ()
    "tpu.region"() ({
      %run_scoped3A = tpu.sem_alloc : memref<!tpu.dma_semaphore, #tpu.memory_space<semaphore_mem>>
      %dma_start3A_133 = arith.constant 0 : i32
      %dma_start3A_134 = arith.constant 0 : i32
      %dma_start3A_135 = tpu.memref_slice %arg11[%dma_start3A_133, %dma_start3A_134] : memref<88x128xf32, #tpu.memory_space<vmem>> -> memref<88x128xf32, #tpu.memory_space<vmem>>
      %dma_start3A_136 = arith.constant 0 : i32
      %dma_start3A_137 = tpu.memref_slice %arg6[%arg0, %add3A_128, %dma_start3A_136] : memref<2x10240x128xf32, #tpu.memory_space<hbm>> -> memref<1x88x128xf32, #tpu.memory_space<hbm>>
      %dma_start3A_138 = tpu.memref_squeeze %dma_start3A_137 : memref<1x88x128xf32, #tpu.memory_space<hbm>> -> memref<88x128xf32, #tpu.memory_space<hbm>>
      %dma_start3A_139 = arith.constant 0 : i32
      %dma_start3A_140 = tpu.memref_slice %arg6[%arg0, %add3A_128, %dma_start3A_139] : memref<2x10240x128xf32, #tpu.memory_space<hbm>> -> memref<1x88x128xf32, #tpu.memory_space<hbm>>
      %dma_start3A_141 = tpu.memref_squeeze %dma_start3A_140 : memref<1x88x128xf32, #tpu.memory_space<hbm>> -> memref<88x128xf32, #tpu.memory_space<hbm>>
      %dma_start3A_142 = arith.constant 0 : i32
      %dma_start3A_143 = arith.constant 0 : i32
      %dma_start3A_144 = tpu.memref_slice %arg11[%dma_start3A_142, %dma_start3A_143] : memref<88x128xf32, #tpu.memory_space<vmem>> -> memref<88x128xf32, #tpu.memory_space<vmem>>
      tpu.enqueue_dma source(%dma_start3A_144 : memref<88x128xf32, #tpu.memory_space<vmem>>) target(%dma_start3A_141 : memref<88x128xf32, #tpu.memory_space<hbm>>) target_semaphore(%run_scoped3A : memref<!tpu.dma_semaphore, #tpu.memory_space<semaphore_mem>>)
      %dma_wait3A_145 = arith.constant 0 : i32
      %dma_wait3A_146 = arith.constant 0 : i32
      %dma_wait3A_147 = tpu.memref_slice %arg11[%dma_wait3A_145, %dma_wait3A_146] : memref<88x128xf32, #tpu.memory_space<vmem>> -> memref<88x128xf32, #tpu.memory_space<vmem>>
      %dma_wait3A_148 = arith.constant 0 : i32
      %dma_wait3A_149 = tpu.memref_slice %arg6[%arg0, %add3A_128, %dma_wait3A_148] : memref<2x10240x128xf32, #tpu.memory_space<hbm>> -> memref<1x88x128xf32, #tpu.memory_space<hbm>>
      %dma_wait3A_150 = tpu.memref_squeeze %dma_wait3A_149 : memref<1x88x128xf32, #tpu.memory_space<hbm>> -> memref<88x128xf32, #tpu.memory_space<hbm>>
      %dma_wait3A_151 = arith.constant 0 : i32
      %dma_wait3A_152 = tpu.memref_slice %arg6[%arg0, %add3A_128, %dma_wait3A_151] : memref<2x10240x128xf32, #tpu.memory_space<hbm>> -> memref<1x88x128xf32, #tpu.memory_space<hbm>>
      %dma_wait3A_153 = tpu.memref_squeeze %dma_wait3A_152 : memref<1x88x128xf32, #tpu.memory_space<hbm>> -> memref<88x128xf32, #tpu.memory_space<hbm>>
      %dma_wait3A_154 = arith.constant 0 : i32
      %dma_wait3A_155 = arith.constant 0 : i32
      %dma_wait3A_156 = tpu.memref_slice %arg11[%dma_wait3A_154, %dma_wait3A_155] : memref<88x128xf32, #tpu.memory_space<vmem>> -> memref<88x128xf32, #tpu.memory_space<vmem>>
      tpu.wait_dma2 semaphore(%run_scoped3A : memref<!tpu.dma_semaphore, #tpu.memory_space<semaphore_mem>>) src(%dma_wait3A_156 : memref<88x128xf32, #tpu.memory_space<vmem>>) dst(%dma_wait3A_153 : memref<88x128xf32, #tpu.memory_space<hbm>>)
      tpu.yield
    }) : () -> ()
    %mul3A_129 = arith.constant 640 : i32
    %mul3A_130 = arith.muli %arg1, %mul3A_129 : i32
    %add3A_131 = arith.constant 616 : i32
    %add3A_132 = arith.addi %mul3A_130, %add3A_131 : i32
    "tpu.region"() ({
      %run_scoped3A = tpu.sem_alloc : memref<!tpu.dma_semaphore, #tpu.memory_space<semaphore_mem>>
      %dma_start3A_133 = arith.constant 0 : i32
      %dma_start3A_134 = arith.constant 0 : i32
      %dma_start3A_135 = tpu.memref_slice %arg11[%dma_start3A_133, %dma_start3A_134] : memref<88x128xf32, #tpu.memory_space<vmem>> -> memref<24x128xf32, #tpu.memory_space<vmem>>
      %dma_start3A_136 = arith.constant 0 : i32
      %dma_start3A_137 = tpu.memref_slice %arg15[%add3A_132, %dma_start3A_136] : memref<10240x128xf32, #tpu.memory_space<vmem_shared>> -> memref<24x128xf32, #tpu.memory_space<vmem_shared>>
      %dma_start3A_138 = arith.constant 0 : i32
      %dma_start3A_139 = arith.constant 0 : i32
      %dma_start3A_140 = tpu.memref_slice %arg11[%dma_start3A_138, %dma_start3A_139] : memref<88x128xf32, #tpu.memory_space<vmem>> -> memref<24x128xf32, #tpu.memory_space<vmem>>
      %dma_start3A_141 = arith.constant 0 : i32
      %dma_start3A_142 = tpu.memref_slice %arg15[%add3A_132, %dma_start3A_141] : memref<10240x128xf32, #tpu.memory_space<vmem_shared>> -> memref<24x128xf32, #tpu.memory_space<vmem_shared>>
      tpu.enqueue_dma source(%dma_start3A_142 : memref<24x128xf32, #tpu.memory_space<vmem_shared>>) target(%dma_start3A_140 : memref<24x128xf32, #tpu.memory_space<vmem>>) target_semaphore(%run_scoped3A : memref<!tpu.dma_semaphore, #tpu.memory_space<semaphore_mem>>)
      %dma_wait3A_143 = arith.constant 0 : i32
      %dma_wait3A_144 = arith.constant 0 : i32
      %dma_wait3A_145 = tpu.memref_slice %arg11[%dma_wait3A_143, %dma_wait3A_144] : memref<88x128xf32, #tpu.memory_space<vmem>> -> memref<24x128xf32, #tpu.memory_space<vmem>>
      %dma_wait3A_146 = arith.constant 0 : i32
      %dma_wait3A_147 = tpu.memref_slice %arg15[%add3A_132, %dma_wait3A_146] : memref<10240x128xf32, #tpu.memory_space<vmem_shared>> -> memref<24x128xf32, #tpu.memory_space<vmem_shared>>
      %dma_wait3A_148 = arith.constant 0 : i32
      %dma_wait3A_149 = arith.constant 0 : i32
      %dma_wait3A_150 = tpu.memref_slice %arg11[%dma_wait3A_148, %dma_wait3A_149] : memref<88x128xf32, #tpu.memory_space<vmem>> -> memref<24x128xf32, #tpu.memory_space<vmem>>
      %dma_wait3A_151 = arith.constant 0 : i32
      %dma_wait3A_152 = tpu.memref_slice %arg15[%add3A_132, %dma_wait3A_151] : memref<10240x128xf32, #tpu.memory_space<vmem_shared>> -> memref<24x128xf32, #tpu.memory_space<vmem_shared>>
      tpu.wait_dma2 semaphore(%run_scoped3A : memref<!tpu.dma_semaphore, #tpu.memory_space<semaphore_mem>>) src(%dma_wait3A_152 : memref<24x128xf32, #tpu.memory_space<vmem_shared>>) dst(%dma_wait3A_150 : memref<24x128xf32, #tpu.memory_space<vmem>>)
      tpu.yield
    }) : () -> ()
    "tpu.region"() ({
      %run_scoped3A = tpu.sem_alloc : memref<!tpu.dma_semaphore, #tpu.memory_space<semaphore_mem>>
      %dma_start3A_133 = arith.constant 0 : i32
      %dma_start3A_134 = arith.constant 0 : i32
      %dma_start3A_135 = tpu.memref_slice %arg11[%dma_start3A_133, %dma_start3A_134] : memref<88x128xf32, #tpu.memory_space<vmem>> -> memref<24x128xf32, #tpu.memory_space<vmem>>
      %dma_start3A_136 = arith.constant 0 : i32
      %dma_start3A_137 = tpu.memref_slice %arg6[%arg0, %add3A_132, %dma_start3A_136] : memref<2x10240x128xf32, #tpu.memory_space<hbm>> -> memref<1x24x128xf32, #tpu.memory_space<hbm>>
      %dma_start3A_138 = tpu.memref_squeeze %dma_start3A_137 : memref<1x24x128xf32, #tpu.memory_space<hbm>> -> memref<24x128xf32, #tpu.memory_space<hbm>>
      %dma_start3A_139 = arith.constant 0 : i32
      %dma_start3A_140 = tpu.memref_slice %arg6[%arg0, %add3A_132, %dma_start3A_139] : memref<2x10240x128xf32, #tpu.memory_space<hbm>> -> memref<1x24x128xf32, #tpu.memory_space<hbm>>
      %dma_start3A_141 = tpu.memref_squeeze %dma_start3A_140 : memref<1x24x128xf32, #tpu.memory_space<hbm>> -> memref<24x128xf32, #tpu.memory_space<hbm>>
      %dma_start3A_142 = arith.constant 0 : i32
      %dma_start3A_143 = arith.constant 0 : i32
      %dma_start3A_144 = tpu.memref_slice %arg11[%dma_start3A_142, %dma_start3A_143] : memref<88x128xf32, #tpu.memory_space<vmem>> -> memref<24x128xf32, #tpu.memory_space<vmem>>
      tpu.enqueue_dma source(%dma_start3A_144 : memref<24x128xf32, #tpu.memory_space<vmem>>) target(%dma_start3A_141 : memref<24x128xf32, #tpu.memory_space<hbm>>) target_semaphore(%run_scoped3A : memref<!tpu.dma_semaphore, #tpu.memory_space<semaphore_mem>>)
      %dma_wait3A_145 = arith.constant 0 : i32
      %dma_wait3A_146 = arith.constant 0 : i32
      %dma_wait3A_147 = tpu.memref_slice %arg11[%dma_wait3A_145, %dma_wait3A_146] : memref<88x128xf32, #tpu.memory_space<vmem>> -> memref<24x128xf32, #tpu.memory_space<vmem>>
      %dma_wait3A_148 = arith.constant 0 : i32
      %dma_wait3A_149 = tpu.memref_slice %arg6[%arg0, %add3A_132, %dma_wait3A_148] : memref<2x10240x128xf32, #tpu.memory_space<hbm>> -> memref<1x24x128xf32, #tpu.memory_space<hbm>>
      %dma_wait3A_150 = tpu.memref_squeeze %dma_wait3A_149 : memref<1x24x128xf32, #tpu.memory_space<hbm>> -> memref<24x128xf32, #tpu.memory_space<hbm>>
      %dma_wait3A_151 = arith.constant 0 : i32
      %dma_wait3A_152 = tpu.memref_slice %arg6[%arg0, %add3A_132, %dma_wait3A_151] : memref<2x10240x128xf32, #tpu.memory_space<hbm>> -> memref<1x24x128xf32, #tpu.memory_space<hbm>>
      %dma_wait3A_153 = tpu.memref_squeeze %dma_wait3A_152 : memref<1x24x128xf32, #tpu.memory_space<hbm>> -> memref<24x128xf32, #tpu.memory_space<hbm>>
      %dma_wait3A_154 = arith.constant 0 : i32
      %dma_wait3A_155 = arith.constant 0 : i32
      %dma_wait3A_156 = tpu.memref_slice %arg11[%dma_wait3A_154, %dma_wait3A_155] : memref<88x128xf32, #tpu.memory_space<vmem>> -> memref<24x128xf32, #tpu.memory_space<vmem>>
      tpu.wait_dma2 semaphore(%run_scoped3A : memref<!tpu.dma_semaphore, #tpu.memory_space<semaphore_mem>>) src(%dma_wait3A_156 : memref<24x128xf32, #tpu.memory_space<vmem>>) dst(%dma_wait3A_153 : memref<24x128xf32, #tpu.memory_space<hbm>>)
      tpu.yield
    }) : () -> ()
    return
  }
}

module attributes {stable_mosaic.version = 14 : i64} {
  func.func @_proj_body(%arg0: i32, %arg1: i32, %arg2: memref<2000x128xf32, #tpu.memory_space<vmem>>, %arg3: memref<1x256x128xf32, #tpu.memory_space<vmem>>, %arg4: memref<1x1x128xf32, #tpu.memory_space<vmem>>, %arg5: memref<1x2000x128xf32, #tpu.memory_space<vmem>>, %arg6: memref<1x2000x128xf32, #tpu.memory_space<vmem>>) attributes {dimension_semantics = [#tpu.dimension_semantics<arbitrary>, #tpu.dimension_semantics<arbitrary>], iteration_bounds = array<i64: 4, 5>, scalar_prefetch = 0 : i64, scratch_operands = 0 : i64, tpu.core_type = #tpu.core_type<tc>, window_params = [{transform_indices = @transform_0, window_bounds = array<i64: 2000, 128>}, {transform_indices = @transform_1, window_bounds = array<i64: 1, 256, 128>}, {transform_indices = @transform_2, window_bounds = array<i64: 1, 1, 128>}, {transform_indices = @transform_3, window_bounds = array<i64: 1, 2000, 128>}, {transform_indices = @transform_4, window_bounds = array<i64: 1, 2000, 128>}]} {
    %get3A = arith.constant 0 : index
    %get3A_0 = arith.constant 0 : index
    %get3A_1 = vector.load %arg2[%get3A, %get3A_0] : memref<2000x128xf32, #tpu.memory_space<vmem>>, vector<2000x128xf32>
    %get3A_2 = arith.constant 0 : index
    %get3A_3 = arith.constant 0 : index
    %get3A_4 = arith.constant 0 : index
    %get3A_5 = vector.load %arg3[%get3A_2, %get3A_3, %get3A_4] : memref<1x256x128xf32, #tpu.memory_space<vmem>>, vector<1x256x128xf32>
    %get3A_6 = vector.shape_cast %get3A_5 : vector<1x256x128xf32> to vector<256x128xf32>
    %slice3A = vector.extract_strided_slice %get3A_6 {offsets = [0, 0], sizes = [128, 128], strides = [1, 1]} : vector<256x128xf32> to vector<128x128xf32>
    %dot_general3A = arith.constant dense<0.000000e+00> : vector<2000x128xf32>
    %dot_general3A_7 = tpu.matmul %get3A_1, %slice3A, %dot_general3A {dimension_numbers = #tpu.dot_dimension_numbers<[1], [0], [0], [1], [0, 0, 1, 1], [], []>, transpose_lhs_hint = false} : vector<2000x128xf32>, vector<128x128xf32>, vector<2000x128xf32> -> vector<2000x128xf32>
    %swap3A = arith.constant 0 : index
    %swap3A_8 = arith.constant 0 : index
    %swap3A_9 = arith.constant 0 : index
    %swap3A_10 = vector.load %arg5[%swap3A, %swap3A_8, %swap3A_9] : memref<1x2000x128xf32, #tpu.memory_space<vmem>>, vector<1x2000x128xf32>
    %swap3A_11 = vector.shape_cast %swap3A_10 : vector<1x2000x128xf32> to vector<2000x128xf32>
    %swap3A_12 = vector.shape_cast %dot_general3A_7 : vector<2000x128xf32> to vector<1x2000x128xf32>
    tpu.vector_store %arg5[%swap3A, %swap3A_8, %swap3A_9], %swap3A_12 {strides = array<i32>} : memref<1x2000x128xf32, #tpu.memory_space<vmem>>, vector<1x2000x128xf32>,
    %slice3A_13 = vector.extract_strided_slice %get3A_6 {offsets = [128, 0], sizes = [128, 128], strides = [1, 1]} : vector<256x128xf32> to vector<128x128xf32>
    %dot_general3A_14 = arith.constant dense<0.000000e+00> : vector<2000x128xf32>
    %dot_general3A_15 = tpu.matmul %get3A_1, %slice3A_13, %dot_general3A_14 {dimension_numbers = #tpu.dot_dimension_numbers<[1], [0], [0], [1], [0, 0, 1, 1], [], []>, transpose_lhs_hint = false} : vector<2000x128xf32>, vector<128x128xf32>, vector<2000x128xf32> -> vector<2000x128xf32>
    %get3A_16 = arith.constant 0 : index
    %get3A_17 = arith.constant 0 : index
    %get3A_18 = arith.constant 0 : index
    %get3A_19 = vector.load %arg4[%get3A_16, %get3A_17, %get3A_18] : memref<1x1x128xf32, #tpu.memory_space<vmem>>, vector<1x1x128xf32>
    %get3A_20 = vector.shape_cast %get3A_19 : vector<1x1x128xf32> to vector<1x128xf32>
    %add3A = vector.broadcast %get3A_20 : vector<1x128xf32> to vector<2000x128xf32>
    %add3A_21 = arith.addf %dot_general3A_15, %add3A : vector<2000x128xf32>
    %swap3A_22 = arith.constant 0 : index
    %swap3A_23 = arith.constant 0 : index
    %swap3A_24 = arith.constant 0 : index
    %swap3A_25 = vector.load %arg6[%swap3A_22, %swap3A_23, %swap3A_24] : memref<1x2000x128xf32, #tpu.memory_space<vmem>>, vector<1x2000x128xf32>
    %swap3A_26 = vector.shape_cast %swap3A_25 : vector<1x2000x128xf32> to vector<2000x128xf32>
    %swap3A_27 = vector.shape_cast %add3A_21 : vector<2000x128xf32> to vector<1x2000x128xf32>
    tpu.vector_store %arg6[%swap3A_22, %swap3A_23, %swap3A_24], %swap3A_27 {strides = array<i32>} : memref<1x2000x128xf32, #tpu.memory_space<vmem>>, vector<1x2000x128xf32>,
    return
  }
  func.func @transform_0(%arg0: i32, %arg1: i32) -> (i32, i32) {
    %c0_i32 = arith.constant 0 : i32
    %c0_i32_0 = arith.constant 0 : i32
    return %arg1, %c0_i32 : i32, i32
  }
  func.func @transform_1(%arg0: i32, %arg1: i32) -> (i32, i32, i32) {
    %c0_i32 = arith.constant 0 : i32
    %c0_i32_0 = arith.constant 0 : i32
    %c0_i32_1 = arith.constant 0 : i32
    return %arg0, %c0_i32, %c0_i32_0 : i32, i32, i32
  }
  func.func @transform_2(%arg0: i32, %arg1: i32) -> (i32, i32, i32) {
    %c0_i32 = arith.constant 0 : i32
    %c0_i32_0 = arith.constant 0 : i32
    %c0_i32_1 = arith.constant 0 : i32
    return %arg0, %c0_i32, %c0_i32_0 : i32, i32, i32
  }
  func.func @transform_3(%arg0: i32, %arg1: i32) -> (i32, i32, i32) {
    %c0_i32 = arith.constant 0 : i32
    %c0_i32_0 = arith.constant 0 : i32
    return %arg0, %arg1, %c0_i32 : i32, i32, i32
  }
  func.func @transform_4(%arg0: i32, %arg1: i32) -> (i32, i32, i32) {
    %c0_i32 = arith.constant 0 : i32
    %c0_i32_0 = arith.constant 0 : i32
    return %arg0, %arg1, %c0_i32 : i32, i32, i32
  }
}

module attributes {stable_mosaic.version = 14 : i64} {
  func.func @_combine_body(%arg0: i32, %arg1: memref<1x1000x128xf32, #tpu.memory_space<vmem>>, %arg2: memref<1x1000x128xf32, #tpu.memory_space<vmem>>, %arg3: memref<1000x128xf32, #tpu.memory_space<vmem>>) attributes {dimension_semantics = [#tpu.dimension_semantics<arbitrary>], iteration_bounds = array<i64: 10>, scalar_prefetch = 0 : i64, scratch_operands = 0 : i64, tpu.core_type = #tpu.core_type<tc>, window_params = [{transform_indices = @transform_0, window_bounds = array<i64: 1, 1000, 128>}, {transform_indices = @transform_1, window_bounds = array<i64: 1, 1000, 128>}, {transform_indices = @transform_2, window_bounds = array<i64: 1000, 128>}]} {
    %get3A = arith.constant 0 : index
    %get3A_0 = arith.constant 0 : index
    %get3A_1 = arith.constant 0 : index
    %get3A_2 = vector.load %arg1[%get3A, %get3A_0, %get3A_1] : memref<1x1000x128xf32, #tpu.memory_space<vmem>>, vector<1x1000x128xf32>
    %get3A_3 = vector.shape_cast %get3A_2 : vector<1x1000x128xf32> to vector<1000x128xf32>
    %get3A_4 = arith.constant 0 : index
    %get3A_5 = arith.constant 0 : index
    %get3A_6 = arith.constant 0 : index
    %get3A_7 = vector.load %arg2[%get3A_4, %get3A_5, %get3A_6] : memref<1x1000x128xf32, #tpu.memory_space<vmem>>, vector<1x1000x128xf32>
    %get3A_8 = vector.shape_cast %get3A_7 : vector<1x1000x128xf32> to vector<1000x128xf32>
    %add3A = arith.addf %get3A_3, %get3A_8 : vector<1000x128xf32>
    %swap3A = arith.constant 0 : index
    %swap3A_9 = arith.constant 0 : index
    %swap3A_10 = vector.load %arg3[%swap3A, %swap3A_9] : memref<1000x128xf32, #tpu.memory_space<vmem>>, vector<1000x128xf32>
    tpu.vector_store %arg3[%swap3A, %swap3A_9], %add3A {strides = array<i32>} : memref<1000x128xf32, #tpu.memory_space<vmem>>, vector<1000x128xf32>,
    return
  }
  func.func @transform_0(%arg0: i32) -> (i32, i32, i32) {
    %c0_i32 = arith.constant 0 : i32
    %c0_i32_0 = arith.constant 0 : i32
    %c0_i32_1 = arith.constant 0 : i32
    return %c0_i32, %arg0, %c0_i32_0 : i32, i32, i32
  }
  func.func @transform_1(%arg0: i32) -> (i32, i32, i32) {
    %c1_i32 = arith.constant 1 : i32
    %c0_i32 = arith.constant 0 : i32
    %c0_i32_0 = arith.constant 0 : i32
    return %c1_i32, %arg0, %c0_i32 : i32, i32, i32
  }
  func.func @transform_2(%arg0: i32) -> (i32, i32) {
    %c0_i32 = arith.constant 0 : i32
    %c0_i32_0 = arith.constant 0 : i32
    return %arg0, %c0_i32 : i32, i32
  }
}

</mosaic_0001>

<sc_bundles>
// kernel: kernel.5.cloned.1.call-start
scs
__scs_entry_jumppad:
0x0: {  	(pc) =	sbr.rel $0x88, $3  }
0x1: {  	(tag) =	ssettag $0x0;
	lr =	simm.s32 $0x1  }
0x2: {  	[smem:$0x3F9D] =	sst lr;
	_ =	strace $0xD0000000  }
0x3: {  	_ = 	snop  }
0x4: {  	_ = 	snop  }
0x5: {  	_ = 	snop  }
0x6: {  	_ = 	snop  }
0x7: {  	_ = 	snop  }
__scs_overlays_trampoline_lowered:
0x8: {  	[smem:$0x3FAC] =	sst s0  }
0x9: {  	[smem:$0x3FAD] =	sst s1  }
0xa: {  	[smem:$0x3FAE] =	sst s2  }
0xb: {  	[smem:$0x3FAF] =	sst s3  }
0xc: {  	[smem:$0x3FB0] =	sst s4  }
0xd: {  	[smem:$0x3FB1] =	sst s5  }
0xe: {  	[smem:$0x3FB2] =	sst s6  }
0xf: {  	[smem:$0x3FB3] =	sst s7  }
0x10: {  	[smem:$0x3FB4] =	sst s8  }
0x11: {  	[smem:$0x3FB5] =	sst s9;
	s0 =	simm.s32 @!p0 $0x0  }
0x12: {  	s1 =	sld [smem:$0x3F9B];
	s0 =	simm.s32 @p0 $0x1  }
0x13: {  	[smem:$0x3FB6] =	sst s0;
	s0 =	simm.s32 @!p1 $0x0  }
0x14: {  	s2 =	sld [smem:$0x3F9A];
	s0 =	simm.s32 @p1 $0x1  }
0x15: {  	[smem:$0x3FB7] =	sst s0;
	s0 =	simm.s32 @!p2 $0x0  }
0x16: {  	s3 =	sld [smem:$0x3FDB];
	s0 =	simm.s32 @p2 $0x1  }
0x17: {  	s4 =	simm.s32 $0x1BF5;
	[smem:$0x3FB9] =	sst s0  }
0x18: {  	s0 =	sld [smem:$0x3F9C];
	_ =	swait.ge [sflag:s4], $0x0  }
0x19: {  	s7 =	sld [smem:$0x3F9D]  }
0x1a: {  	s8 =	sadd.s32 $0xFFFFE003, lr  }
0x1b: {  	s9 =	sadd.s32 $0xFFFFFEF7, lr;
	s5 =	simm.s32 $0xFFFFFFFF;
	p2 =	slt.u32 s8, $0xFFFFF086  }
0x1c: {  	p1 =	slt.u32 s9, $0xF7A;
	s5 =	simm.s32 @!p2 $0x0  }
0x1d: {  	s5 =	simm.s32 @p1 $0x1;
	p0 =	seq.s32 s7, s2  }
0x1e: {  	s7 =	smul.u32 @!p0 $0xF7A, s2;
	p2 =	seq.s32 @!p0 s5, $0x0  }
0x1f: {  	s9 =	smul.u32 $0xF7A, s1;
	s8 =	simm.s32 @!p0 $0x1BF5;
	p2 =	por !p2, p0  }
0x20: {  	[sflag:s8] =	ssyncset.s32 @!p0 $0xFFFFF086;
	s6 =	sadd.s32 @!p0 s3, s7;
	s7 =	simm.s32 @!p0 $0x108  }
0x21: {  	s3 =	sadd.s32 s3, s9;
	s6 =	sadd.s32 @!p0 $0x88, s6;
	s7 =	simm.s32 @p2 $0x1082  }
0x22: {  	[simem:s7], [sflag:s8] =	dma.local @!p0 [hbm:s6], $0xF7A  }
0x23: {  	s9 =	sor.u32 $0xD0000000, s2;
	s6 =	simm.s32 $0x108;
	_ =	swait.ge @!p0 [sflag:s8], $0x0  }
0x24: {  	s3 =	sadd.s32 $0x88, s3;
	s6 =	simm.s32 @!p1 $0x1082;
	[sflag:s4] =	ssyncset.s32 $0xFFFFF086  }
0x25: {  	[simem:s6], [sflag:s4] =	dma.local [hbm:s3], $0xF7A  }
0x26: {  	[smem:$0x3F9D] =	sst s1;
	(tag) =	ssettag s2;
	_ =	strace s9  }
0x27: {  	s1 =	sld [smem:$0x3FAD]  }
0x28: {  	s2 =	sld [smem:$0x3FAE]  }
0x29: {  	s4 =	sld [smem:$0x3FB0]  }
0x2a: {  	p0 =	seq.s32 s5, $0x0;
	s5 =	sld [smem:$0x3FB1]  }
0x2b: {  	s6 =	sld [smem:$0x3FB2]  }
0x2c: {  	s7 =	sld [smem:$0x3FB3]  }
0x2d: {  	s3 =	simm.s32 $0x108;
	s8 =	sld [smem:$0x3FB4]  }
0x2e: {  	s3 =	simm.s32 @!p0 $0x1082;
	s9 =	sld [smem:$0x3FB5]  }
0x2f: {  	lr =	sadd.s32 s0, s3;
	s0 =	sld [smem:$0x3FAC]  }
0x30: {  	s3 =	sld [smem:$0x3FAF]  }
0x31: {  	[smem:$0x3FB8] =	sst s10  }
0x32: {  	s10 =	sld [smem:$0x3FB6];
	_ =	sdelay $0x3  }
0x33: {  	p0 =	seq.s32 s10, $0x1;
	s10 =	sld [smem:$0x3FB8];
	_ =	sdelay $0x3  }
0x34: {  	[smem:$0x3FB8] =	sst s10  }
0x35: {  	s10 =	sld [smem:$0x3FB7];
	_ =	sdelay $0x3  }
0x36: {  	p1 =	seq.s32 s10, $0x1;
	s10 =	sld [smem:$0x3FB8];
	_ =	sdelay $0x3  }
0x37: {  	[smem:$0x3FB8] =	sst s10  }
0x38: {  	s10 =	sld [smem:$0x3FB9]  }
0x39: {  	_ = 	snop;
	(pc) =	sbr.ind lr, $3  }
0x3a: {  	_ = 	snop  }
0x3b: {  	_ = 	snop  }
0x3c: {  	p2 =	seq.s32 s10, $0x1;
	s10 =	sld [smem:$0x3FB8]  }
0x3d: {  	_ =	shalt  }
0x3e: {  	_ =	shalt  }
0x3f: {  	_ =	shalt  }
0x40: {  	_ =	shalt  }
0x41: {  	_ =	shalt  }
0x42: {  	_ =	shalt  }
0x43: {  	_ =	shalt  }
0x44: {  	_ =	shalt  }
0x45: {  	_ =	shalt  }
0x46: {  	_ =	shalt  }
0x47: {  	_ =	shalt  }
0x48: {  	_ =	shalt  }
0x49: {  	_ =	shalt  }
0x4a: {  	_ =	shalt  }
0x4b: {  	_ =	shalt  }
0x4c: {  	_ =	shalt  }
0x4d: {  	_ =	shalt  }
0x4e: {  	_ =	shalt  }
0x4f: {  	_ =	shalt  }
0x50: {  	_ =	shalt  }
0x51: {  	_ =	shalt  }
0x52: {  	_ =	shalt  }
0x53: {  	_ =	shalt  }
0x54: {  	_ =	shalt  }
0x55: {  	_ =	shalt  }
0x56: {  	_ =	shalt  }
0x57: {  	_ =	shalt  }
0x58: {  	_ =	shalt  }
0x59: {  	_ =	shalt  }
0x5a: {  	_ =	shalt  }
0x5b: {  	_ =	shalt  }
0x5c: {  	_ =	shalt  }
0x5d: {  	_ =	shalt  }
0x5e: {  	_ =	shalt  }
0x5f: {  	_ =	shalt  }
0x60: {  	_ =	shalt  }
0x61: {  	_ =	shalt  }
0x62: {  	_ =	shalt  }
0x63: {  	_ =	shalt  }
0x64: {  	_ =	shalt  }
0x65: {  	_ =	shalt  }
0x66: {  	_ =	shalt  }
0x67: {  	_ =	shalt  }
0x68: {  	_ =	shalt  }
0x69: {  	_ =	shalt  }
0x6a: {  	_ =	shalt  }
0x6b: {  	_ =	shalt  }
0x6c: {  	_ =	shalt  }
0x6d: {  	_ =	shalt  }
0x6e: {  	_ =	shalt  }
0x6f: {  	_ =	shalt  }
0x70: {  	_ =	shalt  }
0x71: {  	_ =	shalt  }
0x72: {  	_ =	shalt  }
0x73: {  	_ =	shalt  }
0x74: {  	_ =	shalt  }
0x75: {  	_ =	shalt  }
0x76: {  	_ =	shalt  }
0x77: {  	_ =	shalt  }
0x78: {  	_ =	shalt  }
0x79: {  	_ =	shalt  }
0x7a: {  	_ =	shalt  }
0x7b: {  	_ =	shalt  }
0x7c: {  	_ =	shalt  }
0x7d: {  	_ =	shalt  }
0x7e: {  	_ =	shalt  }
0x7f: {  	_ =	shalt  }
0x80: {  	_ =	shalt  }
0x81: {  	_ =	shalt  }
0x82: {  	_ =	shalt  }
0x83: {  	_ =	shalt  }
0x84: {  	_ =	shalt  }
0x85: {  	_ =	shalt  }
0x86: {  	_ =	shalt  }
0x87: {  	_ =	shalt  }
.Lfunc_end0:
.L_simem_size_0:
called_computation_lowered:
.L_overlay_start_0:
0x88: {  	s2 =	sld [smem:$0x3FD9]  }
0x89: {  	s3 =	sld [smem:$0x3FFE];
	_ =	sdelay $0x1  }
0x8a: {  	s1 =	srdreg.scid  }
0x8b: {  	s0 =	sand.u32 $0x1, s1  }
0x8c: {  	s17 =	sshll.u32 s0, $0xA;
	s2 =	sadd.s32 s3, s2  }
0x8d: {  	s2 =	sadd.s32 s2, s17  }
0x8e: {  	[smem:$0x3FC4] =	sst s2  }
0x8f: {  	_ = 	snop  }
0x90: {  	s2 =	sld [smem:$0x3FD0];
	(tm) =	ssettm $0x1  }
0x91: {  	s18 =	sld [smem:$0x3FFB];
	_ =	sdelay $0x3  }
0x92: {  	_ =	strace s18  }
0x93: {  	s3 =	sld [smem:$0x3FFC];
	_ =	sdelay $0x3  }
0x94: {  	_ =	strace s3  }
0x95: {  	s3 =	sld [smem:$0x3FFD];
	_ =	sdelay $0x3  }
0x96: {  	_ =	strace s3  }
0x97: {  	_ =	strace $0x8FFFFFFF  }
0x98: {  	s19 =	sld [smem:$0x3FDB];
	_ =	sdelay $0x1  }
0x99: {  	s4 =	simm.s32 $_scs_section_size  }
0x9a: {  	s5 =	simm.s32 $_size__tile_overlayer_lowered;
	s6 =	simm.s32 $_tile_overlayer_lowered  }
0x9b: {  	s22 =	simm.s32 $0x1BFF;
	s21 =	sshll.u32 s6, $0x1;
	s3 =	sadd.s32 s4, s19  }
0x9c: {  	s7 =	simm.s32 $0x0;
	s20 =	sshll.u32 s5, $0x1;
	s5 =	sadd.s32 s21, s3  }
0x9d: {  	[timem:s7], [sflag:s22] =	dma.local [hbm:s5], s20  }
0x9e: {  	_ =	swait.ge [sflag:s22], s20  }
0x9f: {  	s4 =	ssub.s32 $0x0, s20;
	[sflag:s22] =	ssyncset.done $0x0  }
0xa0: {  	[sflag:s22] =	ssyncadd.s32 s4;
	_ =	sdelay $0x1  }
0xa1: {  	s23 =	simm.s32 $0x1B8B  }
0xa2: {  	_ =	swait.ge [sflag:s23], $0x1  }
0xa3: {  	[sflag:s23] =	ssyncset.done $0x0  }
0xa4: {  	s25 =	simm.s32 $0x1B8E;
	s24 =	sld [smem:$0x3FFE];
	[sflag:s23] =	ssyncadd.s32 $0xFFFFFFFF  }
0xa5: {  	s26 =	simm.s32 $execute0_lowered;
	[smem:$0x3FD2] =	sst s25  }
0xa6: {  	s5 =	sshll.u32 s26, $0x1;
	_ =	strace $0x80000046;
	[dreg:$0x1] =	wrdreg $0xFFFFFFFF  }
0xa7: {  	s28 =	simm.s32 $_size_execute0_lowered;
	s3 =	sadd.s32 s3, s5;
	[dreg:$0x0] =	wrdreg $0x0  }
0xa8: {  	s5 =	sshll.u32 s28, $0x1;
	[dreg:$0x2] =	wrdreg s3  }
0xa9: {  	[dreg:$0x3] =	wrdreg s5  }
0xaa: {  	[dreg:$0x4] =	wrdreg $0xC0  }
0xab: {  	_ =	task [dreg:s7], $0x5FFFF  }
0xac: {  	[dreg:$0x1] =	wrdreg $0xFFFFFFFF  }
0xad: {  	[dreg:$0x0] =	wrdreg $0x60  }
0xae: {  	[dreg:$0x2] =	wrdreg s2  }
0xaf: {  	[dreg:$0x3] =	wrdreg s24  }
0xb0: {  	[dreg:$0x4] =	wrdreg $0xB3000  }
0xb1: {  	[dreg:$0x5] =	wrdreg $0x9  }
0xb2: {  	_ =	task.clear_ibuf [dreg:s7], $0x6FFFF;
	_ =	strace $0x90000046  }
0xb3: {  	s29 =	simm.s32 $0x9;
	_ =	strace $0x80000048  }
0xb4: {  	_ =	swait.ge [sflag:s29], $0x1  }
0xb5: {  	[sflag:s29] =	ssyncadd.s32 $0xFFFFFFFF  }
0xb6: {  	_ =	strace $0x90000048  }
0xb7: {  	_ =	sfence  }
0xb8: {  	s30 =	sld [smem:$0x0];
	_ =	sdelay $0x2  }
0xb9: {  	s31 =	sshll.u32 s1, $0xD;
	s1 =	sshrl.u32 s1, $0x2  }
0xba: {  	s3 =	sand.u32 $0x4000, s31;
	s1 =	sadd.s32 s1, s30  }
0xbb: {  	s0 =	sor.u32 s3, s0;
	s1 =	sshll.u32 s1, $0x11  }
0xbc: {  	s0 =	sor.u32 s1, s0  }
0xbd: {  	s0 =	sadd.s32 $0x8F2B, s0  }
0xbe: {  	[sflag:s0] =	ssyncadd.remote.s32 $0x1  }
0xbf: {  	_ =	sfence.sel $0xFFFF  }
0xc0: {  	[dreg:$0x0] =	wrdreg $0xFFFFFFFF;
	(pc) =	sbr.abs _section_cstart, $3  }
0xc1: {  	[dreg:$0x1] =	wrdreg $0xFFFFFFFF  }
0xc2: {  	_ =	task.clear_ibuf [dreg:s7], $0x2FFFF;
	_ =	strace $0x9FFFFFFF  }
0xc3: {  	(tm) =	ssettm $0x7FFFFFFF  }
tec
execute0_lowered:
.L_overlay_start_1:
0x0: {  	(tag) =	ssettag $0x1  }
0x1: {  	s0 =	rddreg [dreg:$0x0]  }
0x2: {  	s1 =	rddreg [dreg:$0x1];
	s2 =	simm.s32 $0x0;
	s3 =	srdreg.scid  }
0x3: {  	s21 =	stileid.u32;
	s28 =	simm.s32 $0x7;
	[smem:$0x7FF] =	sst s2  }
0x4: {  	s5 =	sand.u32 $0x1, s3;
	s4 =	sshll.u32 s21, $0x1;
	s6 =	smul.u32 $0x14000, s21  }
0x5: {  	s7 =	sadd.s32 $0x148400, s1;
	s29 =	sadd.s32 $0xFC00, s1;
	s30 =	sadd.s32 $0xAC000, s1  }
0x6: {  	s31 =	sadd.s32 $0x1020, s1;
	s3 =	ssub.s32 $0x2, s5;
	s9 =	sor.u32 s5, s4  }
0x7: {  	s5 =	smul.u32 $0x140000, s5;
	s8 =	sshrl.u32 s3, $0x1;
	s10 =	sadd.s32 $0x5800, s6  }
0x8: {  	s12 =	sadd.s32 $0x8400, s6;
	s11 =	smul.u32 $0x3B00, s9;
	s13 =	sadd.s32 $0xB000, s6  }
0x9: {  	s14 =	sadd.s32 $0xDC00, s6;
	s15 =	smul.u32 $0x300, s9;
	s16 =	sadd.s32 $0x10800, s6  }
0xa: {  	s18 =	sadd.s32 $0x13400, s6;
	s4 =	ssub.s32 s3, s8;
	s3 =	smul.u32 $0x76, s9  }
0xb: {  	s8 =	sor.u32 $0x2C00, s6;
	s6 =	sadd.s32 s6, s5;
	s25 =	sadd.s32 s5, s10  }
0xc: {  	s20 =	sadd.s32 s5, s12;
	s22 =	sadd.s32 s5, s14;
	s23 =	sadd.s32 s5, s16  }
0xd: {  	s11 =	sand.u32 $0x7FC00, s11;
	s15 =	sand.u32 $0x300, s15;
	s6 =	sshrl.u32 s6, $0x3  }
0xe: {  	s24 =	sadd.s32 s5, s8;
	s4 =	smax.u32 s4, $0x1;
	s17 =	sor.u32 $0x1, s3  }
0xf: {  	s15 =	sor.u32 s15, s11;
	s6 =	sadd.s32 s7, s6;
	s19 =	sshll.u32 s17, $0x7  }
0x10: {  	[dreg:$0x4] =	wrdreg s6;
	s6 =	sshrl.u32 s24, $0x3;
	s19 =	sand.u32 $0x380, s19  }
0x11: {  	s6 =	sadd.s32 s7, s6;
	s19 =	sor.u32 s11, s19;
	s11 =	sshrl.u32 s25, $0x3  }
0x12: {  	[dreg:$0x5] =	wrdreg s6;
	s25 =	sshrl.u32 s23, $0x3;
	s23 =	sadd.s32 $0x1000, s1  }
0x13: {  	s1 =	simm.s32 $0x300;
	s26 =	sadd.s32 s7, s11;
	s11 =	sshrl.u32 s20, $0x3  }
0x14: {  	s20 =	sadd.s32 s5, s13;
	s5 =	sadd.s32 s5, s18;
	[dreg:$0x6] =	wrdreg s26  }
0x15: {  	s6 =	sadd.s32 s7, s11;
	s11 =	sshrl.u32 s22, $0x3;
	s26 =	smul.u32 $0x50000, s21  }
0x16: {  	s5 =	sshrl.u32 s5, $0x3;
	s22 =	sshrl.u32 s15, $0x3;
	[dreg:$0x7] =	wrdreg s6  }
0x17: {  	s15 =	simm.s32 $0x8;
	s24 =	sadd.s32 s7, s11;
	s11 =	rddreg [dreg:$0x2]  }
0x18: {  	s6 =	sshrl.u32 s20, $0x3;
	s5 =	sadd.s32 s7, s5;
	[dreg:$0x9] =	wrdreg s24  }
0x19: {  	s6 =	sadd.s32 s7, s6;
	[dreg:$0xb] =	wrdreg s5;
	s21 =	sadd.s32 s8, s11  }
0x1a: {  	s8 =	sadd.s32 s10, s11;
	[dreg:$0x8] =	wrdreg s6;
	s6 =	sadd.s32 s7, s25  }
0x1b: {  	s10 =	sadd.s32 s12, s11;
	s12 =	sadd.s32 s13, s11;
	[dreg:$0xa] =	wrdreg s6  }
0x1c: {  	s13 =	smul.u32 $0xEC0, s9;
	_ =	strace $0x80000047;
	[dreg:$0xe] =	wrdreg s8  }
0x1d: {  	s14 =	sadd.s32 s14, s11;
	s16 =	sadd.s32 s16, s11;
	[dreg:$0xf] =	wrdreg s10  }
0x1e: {  	s18 =	sadd.s32 s18, s11;
	s24 =	sshll.u32 s17, $0x5;
	[dreg:$0x10] =	wrdreg s12  }
0x1f: {  	s9 =	simm.s32 $0x58;
	s7 =	sshrl.u32 s26, $0x2;
	[dreg:$0x11] =	wrdreg s14  }
0x20: {  	s25 =	sshrl.u32 s19, $0x3;
	s20 =	sadd.s32 s7, s11;
	[dreg:$0x12] =	wrdreg s16  }
0x21: {  	s5 =	sadd.s32 s0, s13;
	s26 =	sadd.s32 s23, s25;
	[dreg:$0x13] =	wrdreg s18  }
0x22: {  	s6 =	simm.s32 $0x100;
	s7 =	simm.s32 $0x280;
	[dreg:$0x14] =	wrdreg s5  }
0x23: {  	s13 =	simm.s32 $0x2;
	s25 =	simm.s32 $0x180;
	[dreg:$0x17] =	wrdreg s26  }
0x24: {  	s5 =	sadd.s32 s23, s22;
	[dreg:$0x18] =	wrdreg s4;
	s10 =	sadd.s32 $0x40, s0  }
.Ltmp0:
0x25: {  	s4 =	simm.s32 $0x9;
	s12 =	simm.s32 $0x1;
	(pc) =	sbr.rel .LBB2_1-.Ltmp0, $4  }
0x26: {  	s22 =	simm.s32 $0x6;
	s26 =	simm.s32 $0x8700;
	[dreg:$0xc] =	wrdreg s20  }
0x27: {  	s8 =	simm.s32 $0x3;
	s14 =	simm.s32 $0x4;
	[dreg:$0xd] =	wrdreg s21  }
0x28: {  	s16 =	simm.s32 $0x0;
	[dreg:$0x15] =	wrdreg s5;
	s5 =	sadd.s32 s0, s24  }
0x29: {  	v0 =	vimm.f32 $0.0e+00;
	s24 =	simm.s32 $0x5B00;
	[dreg:$0x16] =	wrdreg s5;
	s5 =	simm.s32 $0x200  }
.LBB2_10:
0x2a: {  	[bflag:$0x0] =	sbarrier.arrive $0xFFFF  }
0x2b: {  	s20 =	rddreg [dreg:$0xc]  }
0x2c: {  	[tilespmem:s1], [sflag:$0x9] =	stream.linear.gather [spmem:s20], $0x2C00, $0x38;
	[tilespmem:$0x1F300] =	vst v63  }
0x2d: {  	_ =	swait.ge [sflag:s4], $0x2C00  }
0x2e: {  	[sflag:s4] =	ssyncset.done $0x0  }
0x2f: {  	s17 =	rddreg [dreg:$0x4];
	[sflag:s4] =	ssyncadd.s32 $0xFFFFD400  }
0x30: {  	[hbm4b:s17+s2] =	stream.linear.scatter [tilespmem:s1], [sflag:$0x9], $0x2C00, $0x38;
	[tilespmem:$0x1F300] =	vst v63  }
0x31: {  	_ =	swait.ge [sflag:s4], $0x2C00  }
0x32: {  	[sflag:s4] =	ssyncset.done $0x0  }
0x33: {  	s21 =	rddreg [dreg:$0xd];
	[sflag:s4] =	ssyncadd.s32 $0xFFFFD400  }
0x34: {  	[tilespmem:s1], [sflag:$0x9] =	stream.linear.gather [spmem:s21], $0x2C00, $0x38;
	[tilespmem:$0x1F300] =	vst v63  }
0x35: {  	_ =	swait.ge [sflag:s4], $0x2C00  }
0x36: {  	[sflag:s4] =	ssyncset.done $0x0  }
0x37: {  	s18 =	rddreg [dreg:$0x5];
	[sflag:s4] =	ssyncadd.s32 $0xFFFFD400  }
0x38: {  	[hbm4b:s18+s2] =	stream.linear.scatter [tilespmem:s1], [sflag:$0x9], $0x2C00, $0x38;
	[tilespmem:$0x1F300] =	vst v63  }
0x39: {  	_ =	swait.ge [sflag:s4], $0x2C00  }
0x3a: {  	[sflag:s4] =	ssyncset.done $0x0  }
0x3b: {  	s19 =	rddreg [dreg:$0xe];
	[sflag:s4] =	ssyncadd.s32 $0xFFFFD400  }
0x3c: {  	[tilespmem:s1], [sflag:$0x9] =	stream.linear.gather [spmem:s19], $0x2C00, $0x38;
	[tilespmem:$0x1F300] =	vst v63  }
0x3d: {  	_ =	swait.ge [sflag:s4], $0x2C00  }
0x3e: {  	[sflag:s4] =	ssyncset.done $0x0  }
0x3f: {  	s18 =	rddreg [dreg:$0x6];
	[sflag:s4] =	ssyncadd.s32 $0xFFFFD400  }
0x40: {  	[hbm4b:s18+s2] =	stream.linear.scatter [tilespmem:s1], [sflag:$0x9], $0x2C00, $0x38;
	[tilespmem:$0x1F300] =	vst v63  }
0x41: {  	_ =	swait.ge [sflag:s4], $0x2C00  }
0x42: {  	[sflag:s4] =	ssyncset.done $0x0  }
0x43: {  	s19 =	rddreg [dreg:$0xf];
	[sflag:s4] =	ssyncadd.s32 $0xFFFFD400  }
0x44: {  	[tilespmem:s1], [sflag:$0x9] =	stream.linear.gather [spmem:s19], $0x2C00, $0x38;
	[tilespmem:$0x1F300] =	vst v63  }
0x45: {  	_ =	swait.ge [sflag:s4], $0x2C00  }
0x46: {  	[sflag:s4] =	ssyncset.done $0x0  }
0x47: {  	s18 =	rddreg [dreg:$0x7];
	[sflag:s4] =	ssyncadd.s32 $0xFFFFD400  }
0x48: {  	[hbm4b:s18+s2] =	stream.linear.scatter [tilespmem:s1], [sflag:$0x9], $0x2C00, $0x38;
	[tilespmem:$0x1F300] =	vst v63  }
0x49: {  	_ =	swait.ge [sflag:s4], $0x2C00  }
0x4a: {  	[sflag:s4] =	ssyncset.done $0x0  }
0x4b: {  	s19 =	rddreg [dreg:$0x10];
	[sflag:s4] =	ssyncadd.s32 $0xFFFFD400  }
0x4c: {  	[tilespmem:s1], [sflag:$0x9] =	stream.linear.gather [spmem:s19], $0x2C00, $0x38;
	[tilespmem:$0x1F300] =	vst v63  }
0x4d: {  	_ =	swait.ge [sflag:s4], $0x2C00  }
0x4e: {  	[sflag:s4] =	ssyncset.done $0x0  }
0x4f: {  	s18 =	rddreg [dreg:$0x8];
	[sflag:s4] =	ssyncadd.s32 $0xFFFFD400  }
0x50: {  	[hbm4b:s18+s2] =	stream.linear.scatter [tilespmem:s1], [sflag:$0x9], $0x2C00, $0x38;
	[tilespmem:$0x1F300] =	vst v63  }
0x51: {  	_ =	swait.ge [sflag:s4], $0x2C00  }
0x52: {  	[sflag:s4] =	ssyncset.done $0x0  }
0x53: {  	s19 =	rddreg [dreg:$0x11];
	[sflag:s4] =	ssyncadd.s32 $0xFFFFD400  }
0x54: {  	[tilespmem:s1], [sflag:$0x9] =	stream.linear.gather [spmem:s19], $0x2C00, $0x38;
	[tilespmem:$0x1F300] =	vst v63  }
0x55: {  	_ =	swait.ge [sflag:s4], $0x2C00  }
0x56: {  	[sflag:s4] =	ssyncset.done $0x0  }
0x57: {  	s18 =	rddreg [dreg:$0x9];
	[sflag:s4] =	ssyncadd.s32 $0xFFFFD400  }
0x58: {  	[hbm4b:s18+s2] =	stream.linear.scatter [tilespmem:s1], [sflag:$0x9], $0x2C00, $0x38;
	[tilespmem:$0x1F300] =	vst v63  }
0x59: {  	_ =	swait.ge [sflag:s4], $0x2C00  }
0x5a: {  	[sflag:s4] =	ssyncset.done $0x0  }
0x5b: {  	s19 =	rddreg [dreg:$0x12];
	[sflag:s4] =	ssyncadd.s32 $0xFFFFD400  }
0x5c: {  	[tilespmem:s1], [sflag:$0x9] =	stream.linear.gather [spmem:s19], $0x2C00, $0x38;
	[tilespmem:$0x1F300] =	vst v63  }
0x5d: {  	_ =	swait.ge [sflag:s4], $0x2C00  }
0x5e: {  	[sflag:s4] =	ssyncset.done $0x0  }
0x5f: {  	s18 =	rddreg [dreg:$0xa];
	[sflag:s4] =	ssyncadd.s32 $0xFFFFD400  }
0x60: {  	[hbm4b:s18+s2] =	stream.linear.scatter [tilespmem:s1], [sflag:$0x9], $0x2C00, $0x38;
	[tilespmem:$0x1F300] =	vst v63  }
0x61: {  	_ =	swait.ge [sflag:s4], $0x2C00  }
0x62: {  	[sflag:s4] =	ssyncset.done $0x0  }
0x63: {  	s19 =	rddreg [dreg:$0x13];
	[sflag:s4] =	ssyncadd.s32 $0xFFFFD400  }
0x64: {  	[tilespmem:s1], [sflag:$0x9] =	stream.linear.gather [spmem:s19], $0xC00, $0x38;
	[tilespmem:$0x1F300] =	vst v63  }
0x65: {  	_ =	swait.ge [sflag:s4], $0xC00  }
0x66: {  	[sflag:s4] =	ssyncset.done $0x0  }
0x67: {  	s18 =	rddreg [dreg:$0xb];
	[sflag:s4] =	ssyncadd.s32 $0xFFFFF400  }
0x68: {  	[hbm4b:s18+s2] =	stream.linear.scatter [tilespmem:s1], [sflag:$0x9], $0xC00, $0x38;
	[tilespmem:$0x1F300] =	vst v63  }
0x69: {  	_ =	swait.ge [sflag:s4], $0xC00  }
0x6a: {  	s16 =	sadd.s32 $0x1, s16;
	s19 =	rddreg [dreg:$0x18]  }
0x6b: {  	p0 =	sne.s32 s16, s19  }
.Ltmp1:
0x6c: {  	_ = 	snop;
	(pc) =	sbr.rel @!p0 .LBB2_11-.Ltmp1, $3  }
0x6d: {  	_ =	sdelay $0x1  }
0x6e: {  	[sflag:s4] =	ssyncset.done $0x0  }
0x6f: {  	[sflag:s4] =	ssyncadd.s32 $0xFFFFF400  }
.LBB2_1:
0x70: {  	s17 =	simm.s32 $0x0;
	s18 =	simm.s32 $0x200  }
.LBB2_2:
0x71: {  	p0 =	sne.s32 s18, $0xAE00;
	[tilespmem:s17+$0x370] =	vst v0  }
0x72: {  	[tilespmem:s17+$0x300] =	vst v0  }
0x73: {  	[tilespmem:s17+$0x310] =	vst v0  }
.Ltmp2:
0x74: {  	[tilespmem:s17+$0x320] =	vst v0;
	(pc) =	sbr.rel @p0 .LBB2_2-.Ltmp2, $4  }
0x75: {  	[tilespmem:s17+$0x330] =	vst v0  }
0x76: {  	[tilespmem:s17+$0x340] =	vst v0  }
0x77: {  	[tilespmem:s17+$0x350] =	vst v0  }
0x78: {  	[tilespmem:s17+$0x360] =	vst v0;
	s17 =	sshra.s32 s18, $0x2;
	s18 =	sadd.s32 $0x200, s18  }
0x79: {  	[tilespmem:s17+$0x370] =	vst v0  }
0x7a: {  	[tilespmem:s17+$0x300] =	vst v0  }
0x7b: {  	[tilespmem:s17+$0x310] =	vst v0  }
0x7c: {  	[tilespmem:s17+$0x320] =	vst v0  }
0x7d: {  	[tilespmem:s17+$0x330] =	vst v0  }
0x7e: {  	[tilespmem:s17+$0x340] =	vst v0  }
0x7f: {  	[tilespmem:s17+$0x350] =	vst v0  }
0x80: {  	[tilespmem:s17+$0x360] =	vst v0  }
0x81: {  	[spmem:s20] =	stream.linear.scatter [tilespmem:s1], [sflag:$0x9], $0x2C00, $0x38;
	[tilespmem:$0x1F300] =	vst v63  }
0x82: {  	_ =	swait.ge [sflag:s4], $0x2C00  }
0x83: {  	[sflag:s4] =	ssyncset.done $0x0  }
0x84: {  	[sflag:s4] =	ssyncadd.s32 $0xFFFFD400  }
0x85: {  	[spmem:s21] =	stream.linear.scatter [tilespmem:s1], [sflag:$0x9], $0x2C00, $0x38;
	[tilespmem:$0x1F300] =	vst v63  }
0x86: {  	_ =	swait.ge [sflag:s4], $0x2C00  }
0x87: {  	[sflag:s4] =	ssyncset.done $0x0  }
0x88: {  	s18 =	rddreg [dreg:$0xe];
	[sflag:s4] =	ssyncadd.s32 $0xFFFFD400  }
0x89: {  	[spmem:s18] =	stream.linear.scatter [tilespmem:s1], [sflag:$0x9], $0x2C00, $0x38;
	[tilespmem:$0x1F300] =	vst v63  }
0x8a: {  	_ =	swait.ge [sflag:s4], $0x2C00  }
0x8b: {  	[sflag:s4] =	ssyncset.done $0x0  }
0x8c: {  	s19 =	rddreg [dreg:$0xf];
	[sflag:s4] =	ssyncadd.s32 $0xFFFFD400  }
0x8d: {  	[spmem:s19] =	stream.linear.scatter [tilespmem:s1], [sflag:$0x9], $0x2C00, $0x38;
	[tilespmem:$0x1F300] =	vst v63  }
0x8e: {  	_ =	swait.ge [sflag:s4], $0x2C00  }
0x8f: {  	[sflag:s4] =	ssyncset.done $0x0  }
0x90: {  	s20 =	rddreg [dreg:$0x10];
	[sflag:s4] =	ssyncadd.s32 $0xFFFFD400  }
0x91: {  	[spmem:s20] =	stream.linear.scatter [tilespmem:s1], [sflag:$0x9], $0x2C00, $0x38;
	[tilespmem:$0x1F300] =	vst v63  }
0x92: {  	_ =	swait.ge [sflag:s4], $0x2C00  }
0x93: {  	[sflag:s4] =	ssyncset.done $0x0  }
0x94: {  	s21 =	rddreg [dreg:$0x11];
	[sflag:s4] =	ssyncadd.s32 $0xFFFFD400  }
0x95: {  	[spmem:s21] =	stream.linear.scatter [tilespmem:s1], [sflag:$0x9], $0x2C00, $0x38;
	[tilespmem:$0x1F300] =	vst v63  }
0x96: {  	_ =	swait.ge [sflag:s4], $0x2C00  }
0x97: {  	[sflag:s4] =	ssyncset.done $0x0  }
0x98: {  	s18 =	rddreg [dreg:$0x12];
	[sflag:s4] =	ssyncadd.s32 $0xFFFFD400  }
0x99: {  	[spmem:s18] =	stream.linear.scatter [tilespmem:s1], [sflag:$0x9], $0x2C00, $0x38;
	[tilespmem:$0x1F300] =	vst v63  }
0x9a: {  	_ =	swait.ge [sflag:s4], $0x2C00  }
0x9b: {  	[sflag:s4] =	ssyncset.done $0x0  }
0x9c: {  	s19 =	rddreg [dreg:$0x13];
	[sflag:s4] =	ssyncadd.s32 $0xFFFFD400  }
0x9d: {  	[spmem:s19] =	stream.linear.scatter [tilespmem:s1], [sflag:$0x9], $0xC00, $0x38;
	[tilespmem:$0x1F300] =	vst v63  }
0x9e: {  	_ =	swait.ge [sflag:s4], $0xC00  }
0x9f: {  	[sflag:s4] =	ssyncset.done $0x0  }
0xa0: {  	[sflag:s4] =	ssyncadd.s32 $0xFFFFF400  }
0xa1: {  	[bflag:$0x0] =	sbarrier.arrive $0xFFFF  }
0xa2: {  	s17 =	simm.s32 $0x0;
	s18 =	rddreg [dreg:$0x14]  }
0xa3: {  	[tilespmem:s17], [sflag:$0x5] =	stream.linear.gather [hbm4b:s18+s17], $0x100, $0x38;
	[tilespmem:$0x1F300] =	vst v63  }
0xa4: {  	s20 =	rddreg [dreg:$0x15]  }
0xa5: {  	[tilespmem:s5], [sflag:$0x7] =	stream.linear.gather [hbm4b:s20+s17], $0x80, $0x38;
	[tilespmem:$0x1F300] =	vst v63  }
0xa6: {  	s21 =	rddreg [dreg:$0x16]  }
0xa7: {  	[tilespmem:s6], [sflag:$0x6] =	stream.linear.gather [hbm4b:s21+s17], $0x100, $0x38;
	[tilespmem:$0x1F300] =	vst v63  }
0xa8: {  	s19 =	rddreg [dreg:$0x17];
	s20 =	simm.s32 $0x5  }
0xa9: {  	[tilespmem:s7], [sflag:$0x8] =	stream.linear.gather [hbm4b:s19+s17], $0x80, $0x38;
	[tilespmem:$0x1F300] =	vst v63  }
0xaa: {  	_ =	swait.ge [sflag:s20], $0x100  }
0xab: {  	[sflag:s20] =	ssyncset.done $0x0  }
0xac: {  	[sflag:s20] =	ssyncadd.s32 $0xFFFFFF00  }
0xad: {  	[tilespmem:s1], [sflag:$0x1] =	stream.indirect.gather [hbm4b:s29+s9], $0x80, s17, s9, $0xb8;
	[tilespmem:$0x1F300] =	vst v63  }
0xae: {  	s21 =	simm.s32 $0x80;
	s19 =	simm.s32 $0x2F00  }
0xaf: {  	[tilespmem:s19], [sflag:$0x2] =	stream.indirect.gather [hbm4b:s30+s9], $0x80, s21, s9, $0xb8;
	[tilespmem:$0x1F300] =	vst v63  }
.LBB2_4:
0xb0: {  	_ =	swait.ge [sflag:s12], $0x2C00  }
0xb1: {  	[sflag:s12] =	ssyncset.done $0x0  }
0xb2: {  	s18 =	sshll.u32 s17, $0x1;
	[sflag:s12] =	ssyncadd.s32 $0xFFFFD400  }
0xb3: {  	p0 =	seq.s32 s17, $0x3A;
	s18 =	sadd.s32 s3, s18;
	_ =	swait.ge [sflag:s13], $0x2C00  }
0xb4: {  	s19 =	sshll.u32 @!p0 s18, $0x5;
	[sflag:s13] =	ssyncset.done $0x0  }
0xb5: {  	s20 =	simm.s32 @!p0 $0x0;
	s19 =	sadd.s32 @!p0 s19, s10;
	[sflag:s13] =	ssyncadd.s32 $0xFFFFD400  }
0xb6: {  	[tilespmem:s20], [sflag:$0x5] =	stream.linear.gather @!p0 [hbm4b:s19+s20], $0x100, $0x38;
	[tilespmem:$0x1F300] =	vst v63  }
0xb7: {  	_ =	swait.ge [sflag:s22], $0x100  }
0xb8: {  	[sflag:s22] =	ssyncset.done $0x0  }
0xb9: {  	[sflag:s22] =	ssyncadd.s32 $0xFFFFFF00  }
0xba: {  	[tilespmem:s24], [sflag:$0x3] =	stream.indirect.gather [hbm4b:s29+s9], $0x80, s6, s9, $0xb8;
	[tilespmem:$0x1F300] =	vst v63  }
0xbb: {  	s19 =	simm.s32 $0x0  }
0xbc: {  	[tilespmem:s26], [sflag:$0x4] =	stream.indirect.gather [hbm4b:s30+s9], $0x80, s25, s9, $0xb8;
	[tilespmem:$0x1F300] =	vst v63  }
0xbd: {  	v7 =	vld [tilespmem:s19+$0x2F00]  }
0xbe: {  	v12 =	vld [tilespmem:s19+$0x2F10]  }
0xbf: {  	v6 =	vld [tilespmem:s19+$0x2F20]  }
0xc0: {  	v5 =	vld [tilespmem:s19+$0x2F30]  }
0xc1: {  	v4 =	vld [tilespmem:s19+$0x2F40]  }
0xc2: {  	v3 =	vld [tilespmem:s19+$0x2F50]  }
0xc3: {  	v2 =	vld [tilespmem:s19+$0x2F60]  }
0xc4: {  	v1 =	vld [tilespmem:s19+$0x2F70]  }
0xc5: {  	v13 =	vld [tilespmem:s19+$0x300]  }
0xc6: {  	v14 =	vld [tilespmem:s19+$0x310]  }
0xc7: {  	v11 =	vld [tilespmem:s19+$0x320]  }
0xc8: {  	v10 =	vld [tilespmem:s19+$0x330]  }
0xc9: {  	v9 =	vld [tilespmem:s19+$0x340]  }
0xca: {  	v8 =	vld [tilespmem:s19+$0x350];
	v13 =	vadd.f32 v7, v13  }
0xcb: {  	s20 =	simm.s32 $0x200;
	v12 =	vadd.f32 v12, v14;
	v7 =	vld [tilespmem:s19+$0x360]  }
.LBB2_5:
0xcc: {  	s21 =	sshra.s32 s20, $0x2;
	p1 =	sne.s32 s20, $0xAE00;
	v13 =	vmax.f32 v13, $0.0e+00;
	v6 =	vadd.f32 v6, v11;
	v11 =	vld [tilespmem:s19+$0x370]  }
0xcd: {  	v14 =	vld [tilespmem:s21+$0x2F00];
	[tilespmem:s19+$0x300] =	vst v13;
	v12 =	vmax.f32 v12, $0.0e+00;
	v5 =	vadd.f32 v5, v10  }
0xce: {  	v15 =	vld [tilespmem:s21+$0x2F10];
	[tilespmem:s19+$0x310] =	vst v12;
	v10 =	vmax.f32 v6, $0.0e+00;
	v4 =	vadd.f32 v4, v9  }
0xcf: {  	v6 =	vld [tilespmem:s21+$0x2F20];
	[tilespmem:s19+$0x320] =	vst v10;
	v9 =	vmax.f32 v5, $0.0e+00;
	v3 =	vadd.f32 v3, v8  }
0xd0: {  	v5 =	vld [tilespmem:s21+$0x2F30];
	[tilespmem:s19+$0x330] =	vst v9;
	v8 =	vmax.f32 v4, $0.0e+00;
	v2 =	vadd.f32 v2, v7  }
0xd1: {  	v4 =	vld [tilespmem:s21+$0x2F40];
	[tilespmem:s19+$0x340] =	vst v8;
	v7 =	vmax.f32 v3, $0.0e+00;
	v1 =	vadd.f32 v1, v11  }
0xd2: {  	v3 =	vld [tilespmem:s21+$0x2F50];
	[tilespmem:s19+$0x350] =	vst v7;
	v7 =	vmax.f32 v2, $0.0e+00  }
0xd3: {  	v2 =	vld [tilespmem:s21+$0x2F60];
	[tilespmem:s19+$0x360] =	vst v7;
	v7 =	vmax.f32 v1, $0.0e+00  }
0xd4: {  	v1 =	vld [tilespmem:s21+$0x2F70];
	[tilespmem:s19+$0x370] =	vst v7;
	s19 =	smov.u32 s21  }
0xd5: {  	v7 =	vld [tilespmem:s19+$0x300]  }
0xd6: {  	v12 =	vld [tilespmem:s19+$0x310]  }
.Ltmp3:
0xd7: {  	v11 =	vld [tilespmem:s19+$0x320];
	(pc) =	sbr.rel @p1 .LBB2_5-.Ltmp3, $4  }
0xd8: {  	v10 =	vld [tilespmem:s19+$0x330]  }
0xd9: {  	v9 =	vld [tilespmem:s19+$0x340]  }
0xda: {  	v13 =	vadd.f32 v14, v7;
	v8 =	vld [tilespmem:s19+$0x350]  }
0xdb: {  	s20 =	sadd.s32 $0x200, s20;
	v12 =	vadd.f32 v15, v12;
	v7 =	vld [tilespmem:s19+$0x360]  }
0xdc: {  	v13 =	vmax.f32 v13, $0.0e+00;
	v6 =	vadd.f32 v6, v11;
	v11 =	vld [tilespmem:s19+$0x370]  }
0xdd: {  	[tilespmem:s19+$0x300] =	vst v13;
	v12 =	vmax.f32 v12, $0.0e+00;
	v5 =	vadd.f32 v5, v10  }
0xde: {  	[tilespmem:s19+$0x310] =	vst v12;
	v6 =	vmax.f32 v6, $0.0e+00;
	v4 =	vadd.f32 v4, v9  }
0xdf: {  	[tilespmem:s19+$0x320] =	vst v6;
	v5 =	vmax.f32 v5, $0.0e+00;
	v3 =	vadd.f32 v3, v8  }
0xe0: {  	[tilespmem:s19+$0x330] =	vst v5;
	v4 =	vmax.f32 v4, $0.0e+00;
	v2 =	vadd.f32 v2, v7  }
0xe1: {  	[tilespmem:s19+$0x340] =	vst v4;
	v3 =	vmax.f32 v3, $0.0e+00;
	v1 =	vadd.f32 v1, v11  }
0xe2: {  	[tilespmem:s19+$0x350] =	vst v3;
	v2 =	vmax.f32 v2, $0.0e+00  }
0xe3: {  	[tilespmem:s19+$0x360] =	vst v2;
	v1 =	vmax.f32 v1, $0.0e+00  }
0xe4: {  	[tilespmem:s19+$0x370] =	vst v1  }
0xe5: {  	_ =	swait.ge [sflag:s28], $0x80  }
0xe6: {  	[sflag:s28] =	ssyncset.done $0x0  }
0xe7: {  	[sflag:s28] =	ssyncadd.s32 $0xFFFFFF80  }
0xe8: {  	[spmem:s11] =	stream.indirect.scatter.add.f32 [tilespmem:s1], [sflag:$0x9], $0x80, s5, s9, $0xb8;
	[tilespmem:$0x1F300] =	vst v63  }
0xe9: {  	_ =	swait.ge [sflag:s4], $0x2C00  }
0xea: {  	s20 =	simm.s32 @!p0 $0x0;
	s19 =	sshll.u32 @!p0 s18, $0x4;
	[sflag:s4] =	ssyncset.done $0x0  }
0xeb: {  	s21 =	simm.s32 @!p0 $0x200;
	s19 =	sadd.s32 @!p0 s31, s19;
	[sflag:s4] =	ssyncadd.s32 $0xFFFFD400  }
0xec: {  	[tilespmem:s21], [sflag:$0x7] =	stream.linear.gather @!p0 [hbm4b:s19+s20], $0x80, $0x38;
	[tilespmem:$0x1F300] =	vst v63  }
0xed: {  	s19 =	simm.s32 @!p0 $0x5  }
0xee: {  	_ =	swait.ge @!p0 [sflag:s19], $0x100  }
0xef: {  	[sflag:s19] =	ssyncset.done @!p0 $0x0  }
0xf0: {  	s21 =	simm.s32 @!p0 $0x300;
	[sflag:s19] =	ssyncadd.s32 @!p0 $0xFFFFFF00;
	s19 =	simm.s32 @!p0 $0x58  }
0xf1: {  	[tilespmem:s21], [sflag:$0x1] =	stream.indirect.gather @!p0 [hbm4b:s29+s19], $0x80, s20, s19, $0xb8;
	[tilespmem:$0x1F300] =	vst v63  }
0xf2: {  	s20 =	simm.s32 @!p0 $0x80;
	s21 =	simm.s32 @!p0 $0x2F00  }
0xf3: {  	[tilespmem:s21], [sflag:$0x2] =	stream.indirect.gather @!p0 [hbm4b:s30+s19], $0x80, s20, s19, $0xb8;
	[tilespmem:$0x1F300] =	vst v63  }
0xf4: {  	_ =	swait.ge [sflag:s8], $0x2C00  }
0xf5: {  	[sflag:s8] =	ssyncset.done $0x0  }
0xf6: {  	[sflag:s8] =	ssyncadd.s32 $0xFFFFD400  }
0xf7: {  	_ =	swait.ge [sflag:s14], $0x2C00  }
0xf8: {  	[sflag:s14] =	ssyncset.done $0x0  }
0xf9: {  	s19 =	simm.s32 $0x0;
	[sflag:s14] =	ssyncadd.s32 $0xFFFFD400  }
0xfa: {  	v7 =	vld [tilespmem:s19+$0x8700]  }
0xfb: {  	v12 =	vld [tilespmem:s19+$0x8710]  }
0xfc: {  	v6 =	vld [tilespmem:s19+$0x8720]  }
0xfd: {  	v5 =	vld [tilespmem:s19+$0x8730]  }
0xfe: {  	v4 =	vld [tilespmem:s19+$0x8740]  }
0xff: {  	v3 =	vld [tilespmem:s19+$0x8750]  }
0x100: {  	v2 =	vld [tilespmem:s19+$0x8760]  }
0x101: {  	v1 =	vld [tilespmem:s19+$0x8770]  }
0x102: {  	v13 =	vld [tilespmem:s19+$0x5B00]  }
0x103: {  	v14 =	vld [tilespmem:s19+$0x5B10]  }
0x104: {  	v11 =	vld [tilespmem:s19+$0x5B20]  }
0x105: {  	v10 =	vld [tilespmem:s19+$0x5B30]  }
0x106: {  	v9 =	vld [tilespmem:s19+$0x5B40]  }
0x107: {  	v8 =	vld [tilespmem:s19+$0x5B50];
	v13 =	vadd.f32 v7, v13  }
0x108: {  	s20 =	simm.s32 $0x200;
	v12 =	vadd.f32 v12, v14;
	v7 =	vld [tilespmem:s19+$0x5B60]  }
.LBB2_7:
0x109: {  	s21 =	sshra.s32 s20, $0x2;
	p1 =	sne.s32 s20, $0xAE00;
	v13 =	vmax.f32 v13, $0.0e+00;
	v6 =	vadd.f32 v6, v11;
	v11 =	vld [tilespmem:s19+$0x5B70]  }
0x10a: {  	v14 =	vld [tilespmem:s21+$0x8700];
	[tilespmem:s19+$0x5B00] =	vst v13;
	v12 =	vmax.f32 v12, $0.0e+00;
	v5 =	vadd.f32 v5, v10  }
0x10b: {  	v15 =	vld [tilespmem:s21+$0x8710];
	[tilespmem:s19+$0x5B10] =	vst v12;
	v10 =	vmax.f32 v6, $0.0e+00;
	v4 =	vadd.f32 v4, v9  }
0x10c: {  	v6 =	vld [tilespmem:s21+$0x8720];
	[tilespmem:s19+$0x5B20] =	vst v10;
	v9 =	vmax.f32 v5, $0.0e+00;
	v3 =	vadd.f32 v3, v8  }
0x10d: {  	v5 =	vld [tilespmem:s21+$0x8730];
	[tilespmem:s19+$0x5B30] =	vst v9;
	v8 =	vmax.f32 v4, $0.0e+00;
	v2 =	vadd.f32 v2, v7  }
0x10e: {  	v4 =	vld [tilespmem:s21+$0x8740];
	[tilespmem:s19+$0x5B40] =	vst v8;
	v7 =	vmax.f32 v3, $0.0e+00;
	v1 =	vadd.f32 v1, v11  }
0x10f: {  	v3 =	vld [tilespmem:s21+$0x8750];
	[tilespmem:s19+$0x5B50] =	vst v7;
	v7 =	vmax.f32 v2, $0.0e+00  }
0x110: {  	v2 =	vld [tilespmem:s21+$0x8760];
	[tilespmem:s19+$0x5B60] =	vst v7;
	v7 =	vmax.f32 v1, $0.0e+00  }
0x111: {  	v1 =	vld [tilespmem:s21+$0x8770];
	[tilespmem:s19+$0x5B70] =	vst v7;
	s19 =	smov.u32 s21  }
0x112: {  	v7 =	vld [tilespmem:s19+$0x5B00]  }
0x113: {  	v12 =	vld [tilespmem:s19+$0x5B10]  }
.Ltmp4:
0x114: {  	v11 =	vld [tilespmem:s19+$0x5B20];
	(pc) =	sbr.rel @p1 .LBB2_7-.Ltmp4, $4  }
0x115: {  	v10 =	vld [tilespmem:s19+$0x5B30]  }
0x116: {  	v9 =	vld [tilespmem:s19+$0x5B40]  }
0x117: {  	v13 =	vadd.f32 v14, v7;
	v8 =	vld [tilespmem:s19+$0x5B50]  }
0x118: {  	s20 =	sadd.s32 $0x200, s20;
	v12 =	vadd.f32 v15, v12;
	v7 =	vld [tilespmem:s19+$0x5B60]  }
0x119: {  	v13 =	vmax.f32 v13, $0.0e+00;
	v6 =	vadd.f32 v6, v11;
	v63 =	vld [tilespmem:s19+$0x5B70]  }
0x11a: {  	[tilespmem:s19+$0x5B00] =	vst v13;
	v12 =	vmax.f32 v12, $0.0e+00;
	v5 =	vadd.f32 v5, v10  }
0x11b: {  	[tilespmem:s19+$0x5B10] =	vst v12;
	v6 =	vmax.f32 v6, $0.0e+00;
	v4 =	vadd.f32 v4, v9  }
0x11c: {  	[tilespmem:s19+$0x5B20] =	vst v6;
	v5 =	vmax.f32 v5, $0.0e+00;
	v3 =	vadd.f32 v3, v8  }
0x11d: {  	[tilespmem:s19+$0x5B30] =	vst v5;
	v4 =	vmax.f32 v4, $0.0e+00;
	v2 =	vadd.f32 v2, v7  }
0x11e: {  	[tilespmem:s19+$0x5B40] =	vst v4;
	v3 =	vmax.f32 v3, $0.0e+00;
	v1 =	vadd.f32 v1, v63  }
0x11f: {  	[tilespmem:s19+$0x5B50] =	vst v3;
	v2 =	vmax.f32 v2, $0.0e+00  }
0x120: {  	[tilespmem:s19+$0x5B60] =	vst v2;
	v1 =	vmax.f32 v1, $0.0e+00  }
0x121: {  	[tilespmem:s19+$0x5B70] =	vst v1  }
0x122: {  	_ =	swait.ge [sflag:s15], $0x80  }
0x123: {  	[sflag:s15] =	ssyncset.done $0x0  }
.Ltmp5:
0x124: {  	[sflag:s15] =	ssyncadd.s32 $0xFFFFFF80;
	(pc) =	sbr.rel @p0 .LBB2_10-.Ltmp5, $4  }
0x125: {  	[spmem:s11] =	stream.indirect.scatter.add.f32 [tilespmem:s24], [sflag:$0x9], $0x80, s7, s9, $0xb8;
	[tilespmem:$0x1F300] =	vst v63  }
0x126: {  	_ =	swait.ge [sflag:s4], $0x2C00  }
0x127: {  	[sflag:s4] =	ssyncset.done $0x0  }
0x128: {  	[sflag:s4] =	ssyncadd.s32 $0xFFFFD400  }
0x129: {  	s18 =	sadd.s32 $0x3, s18  }
0x12a: {  	s19 =	sshll.u32 s18, $0x5  }
.Ltmp6:
0x12b: {  	s18 =	sshll.u32 s18, $0x4;
	s19 =	sand.u32 $0x1FFFFFE0, s19;
	(pc) =	sbr.rel .LBB2_4-.Ltmp6, $4  }
0x12c: {  	s18 =	sand.u32 $0xFFFFFF0, s18;
	s19 =	sadd.s32 s0, s19  }
0x12d: {  	[tilespmem:s6], [sflag:$0x6] =	stream.linear.gather [hbm4b:s19+s2], $0x100, $0x38;
	[tilespmem:$0x1F300] =	vst v63  }
0x12e: {  	s17 =	sadd.s32 $0x1, s17;
	s18 =	sadd.s32 s23, s18  }
0x12f: {  	[tilespmem:s7], [sflag:$0x8] =	stream.linear.gather [hbm4b:s18+s2], $0x80, $0x38;
	[tilespmem:$0x1F300] =	vst v63  }
.LBB2_11:
0x130: {  	_ =	sfence.sel $0x180000  }
0x131: {  	[bflag:$0x0] =	sbarrier.arrive $0xFFFF  }
0x132: {  	_ =	strace $0x90000047  }
0x133: {  	s0 =	stileid.u32;
	[bflag:$0x2] =	sbarrier.arrive $0xFFFF  }
0x134: {  	p0 =	sne.s32 s0, $0x0;
	s0 =	rddreg [dreg:$0x3]  }
0x135: {  	s0 =	sadd.s32 @!p0 $0x100000, s0  }
0x136: {  	[sflag:s0] =	ssyncadd.tile.s32 @!p0 $0x1;
	_ =	shalt  }
.Lfunc_end2:
_tile_overlayer_lowered:
.L_overlay_start_2:
0x137: {  	(tag) =	ssettag $0x2  }
0x138: {  	s0 =	rddreg [dreg:$0x0];
	s2 =	stileid.u32  }
0x139: {  	s1 =	rddreg [dreg:$0x1];
	p0 =	sne.s32 s2, $0x0  }
0x13a: {  	s3 =	rddreg [dreg:$0x2];
	[bflag:$0x3] =	sbarrier.arrive $0xFFFF;
	s2 =	simm.s32 @!p0 $0x1C09  }
0x13b: {  	[timem:s3], [sflag:s2] =	dma.local @!p0 [hbm:s0], s1  }
0x13c: {  	s0 =	simm.s32 @!p0 $0x9  }
0x13d: {  	_ =	swait.ge @!p0 [sflag:s0], s1  }
0x13e: {  	s1 =	ssub.s32 @!p0 $0x0, s1;
	[sflag:s0] =	ssyncset.done @!p0 $0x0  }
0x13f: {  	[sflag:s0] =	ssyncadd.s32 @!p0 s1  }
0x140: {  	[bflag:$0x3] =	sbarrier.arrive $0xFFFF  }
0x141: {  	_ =	shalt  }

</sc_bundles>
